<compile_context>
chip_gen: v7x
topology: tpu7x:2x2x1
jax: 0.10.2.dev20260603
libtpu: 0.0.44.dev20260713+nightly
codegen_flags: <defaults>
</compile_context>

<pallas_src>
import functools

import jax
import jax.numpy as jnp
from jax import lax
from jax.experimental import pallas as pl
from jax.experimental.pallas import tpu as pltpu
from jax.experimental.pallas import tpu_sc as plsc

_NC, _NS = 2, 16
_NW = _NC * _NS
_CH = 128
_BLK_C = 2000
_BLK_N = 400


def _gelu(x):
    return 0.5 * x * (1.0 + lax.erf(x * (2.0 ** -0.5)))


def _ln_rows(x, g, b, eps=1e-5):
    mu = jnp.mean(x, axis=-1, keepdims=True)
    var = jnp.mean((x - mu) ** 2, axis=-1, keepdims=True)
    return (x - mu) * lax.rsqrt(var + eps) * g + b



def _make_gather(Ep, K, H, N):
    mesh = plsc.VectorSubcoreMesh(
        core_axis_name="c", subcore_axis_name="s",
        num_cores=_NC, num_subcores=_NS)
    Th = K // 2

    @functools.partial(
        pl.kernel,
        out_type=(jax.ShapeDtypeStruct((Ep, H), jnp.float32),
                  jax.ShapeDtypeStruct((Ep, H), jnp.float32)),
        mesh=mesh,
        scratch_types=[
            pltpu.VMEM((K, _CH), jnp.int32),
            pltpu.VMEM((_CH, H), jnp.float32),
            pltpu.VMEM((_CH, H), jnp.float32),
            pltpu.VMEM_SHARED((N, H), jnp.float32),
            pltpu.SemaphoreType.DMA,
            pltpu.SemaphoreType.DMA,
            pltpu.SemaphoreType.DMA,
            pltpu.SemaphoreType.DMA,
        ],
    )
    def gather_k(h_hbm, src_hbm, dst_hbm, hs_hbm, hd_hbm,
                 idx_v, b0, b1, h_spm, sg0, sg1, so0, so1):
        c = lax.axis_index("c")
        s = lax.axis_index("s")
        w = s * _NC + c

        @pl.when(s == 0)
        def _():
            pltpu.sync_copy(h_hbm, h_spm)

        pltpu.sync_copy(src_hbm.at[pl.ds(w * K, K)], idx_v)
        plsc.subcore_barrier()

        def one_pass(out_hbm):
            def gstart(ci, b, sg):
                pltpu.async_copy(h_spm.at[idx_v.at[ci]], b, sg)

            def gdrain(b, sg):
                pltpu.make_async_copy(h_hbm.at[pl.ds(0, _CH)], b, sg).wait()

            def ostart(ci, b, so):
                base = (w * K + ci) * _CH
                pltpu.async_copy(b, out_hbm.at[pl.ds(base, _CH)], so)

            def odrain(b, so):
                pltpu.make_async_copy(b, out_hbm.at[pl.ds(0, _CH)], so).wait()

            gstart(0, b0, sg0)

            def body(t, carry):
                c0 = 2 * t
                c1 = c0 + 1
                gstart(c1, b1, sg1)
                gdrain(b0, sg0)
                ostart(c0, b0, so0)
                gdrain(b1, sg1)
                ostart(c1, b1, so1)
                odrain(b0, so0)

                @pl.when(t + 1 < Th)
                def _():
                    gstart(c0 + 2, b0, sg0)

                odrain(b1, so1)
                return carry

            lax.fori_loop(0, Th, body, 0)

        one_pass(hs_hbm)
        pltpu.sync_copy(dst_hbm.at[pl.ds(w * K, K)], idx_v)
        one_pass(hd_hbm)

    return gather_k



def _make_counts(K, H, NR):
    mesh = plsc.VectorSubcoreMesh(
        core_axis_name="c", subcore_axis_name="s",
        num_cores=_NC, num_subcores=_NS)
    KB = 8
    Tb = K // KB

    @functools.partial(
        pl.kernel,
        out_type=jax.ShapeDtypeStruct((_NC, NR, H), jnp.float32),
        mesh=mesh,
        scratch_types=[
            pltpu.VMEM((K, _CH), jnp.int32),
            pltpu.VMEM((_CH, H), jnp.float32),
            pltpu.VMEM_SHARED((NR, H), jnp.float32),
            pltpu.SemaphoreType.DMA,
        ],
    )
    def counts_k(dst_hbm, ones_hbm, zeros_hbm, cnt_hbm,
                 idxd_v, ones_v, cacc, sem):
        c = lax.axis_index("c")
        s = lax.axis_index("s")
        w = s * _NC + c

        @pl.when(s == 0)
        def _():
            pltpu.sync_copy(zeros_hbm, cacc)

        pltpu.sync_copy(dst_hbm.at[pl.ds(w * K, K)], idxd_v)
        pltpu.sync_copy(ones_hbm, ones_v)
        plsc.subcore_barrier()

        def body(t, carry):
            for j in range(KB):
                pltpu.async_copy(ones_v, cacc.at[idxd_v.at[t * KB + j]],
                                 sem, add=True)
            for j in range(KB):
                pltpu.make_async_copy(
                    ones_v, cacc.at[idxd_v.at[0]], sem).wait()
            return carry

        lax.fori_loop(0, Tb, body, 0)
        plsc.subcore_barrier()

        @pl.when(s == 0)
        def _():
            pltpu.sync_copy(cacc, cnt_hbm.at[c])

    return counts_k



def _edge_body(hs_ref, hd_ref, e_ref, w1h_ref, w1e_ref, w2_ref,
               wvh_ref, wve_ref, be1_ref, be2_ref, bv1_ref, ge_ref, bbe_ref,
               g_ref, en_ref):
    hcat = jnp.concatenate([hs_ref[...], hd_ref[...]],
                           axis=1).astype(jnp.bfloat16)
    e = e_ref[...]
    pre1 = (jnp.dot(hcat, w1h_ref[...], preferred_element_type=jnp.float32)
            + jnp.dot(e, w1e_ref[...], preferred_element_type=jnp.float32)
            + be1_ref[...])
    t = jnp.dot(_gelu(pre1), w2_ref[...],
                preferred_element_type=jnp.float32) + be2_ref[...]
    en = _ln_rows(e + t, ge_ref[...], bbe_ref[...])
    pre2 = (jnp.dot(hcat, wvh_ref[...], preferred_element_type=jnp.float32)
            + jnp.dot(en, wve_ref[...], preferred_element_type=jnp.float32)
            + bv1_ref[...])
    g_ref[...] = _gelu(pre2)
    en_ref[...] = en


def _edge_mlp(HS, HD, e, W1h, W1e, W2, Wvh, Wve, be1, be2, bv1, g_e, b_e):
    Ep, H = HS.shape
    E, ED = e.shape
    H2 = 2 * H
    grid = (E // _BLK_C,)
    return pl.pallas_call(
        _edge_body,
        grid=grid,
        in_specs=[
            pl.BlockSpec((_BLK_C, H), lambda i: (i, 0)),
            pl.BlockSpec((_BLK_C, H), lambda i: (i, 0)),
            pl.BlockSpec((_BLK_C, ED), lambda i: (i, 0)),
            pl.BlockSpec((H2, ED), lambda i: (0, 0)),
            pl.BlockSpec((ED, ED), lambda i: (0, 0)),
            pl.BlockSpec((ED, ED), lambda i: (0, 0)),
            pl.BlockSpec((H2, H), lambda i: (0, 0)),
            pl.BlockSpec((ED, H), lambda i: (0, 0)),
            pl.BlockSpec((1, ED), lambda i: (0, 0)),
            pl.BlockSpec((1, ED), lambda i: (0, 0)),
            pl.BlockSpec((1, H), lambda i: (0, 0)),
            pl.BlockSpec((1, ED), lambda i: (0, 0)),
            pl.BlockSpec((1, ED), lambda i: (0, 0)),
        ],
        out_specs=[
            pl.BlockSpec((_BLK_C, H), lambda i: (i, 0)),
            pl.BlockSpec((_BLK_C, ED), lambda i: (i, 0)),
        ],
        out_shape=[
            jax.ShapeDtypeStruct((Ep, H), jnp.float32),
            jax.ShapeDtypeStruct((E, ED), jnp.float32),
        ],
    )(HS, HD, e, W1h, W1e, W2, Wvh, Wve, be1, be2, bv1, g_e, b_e)



def _make_scatter(Ep, K, H, NR):
    mesh = plsc.VectorSubcoreMesh(
        core_axis_name="c", subcore_axis_name="s",
        num_cores=_NC, num_subcores=_NS)
    Th = K // 2

    @functools.partial(
        pl.kernel,
        out_type=jax.ShapeDtypeStruct((_NC, NR, H), jnp.float32),
        mesh=mesh,
        scratch_types=[
            pltpu.VMEM((K, _CH), jnp.int32),
            pltpu.VMEM((_CH, H), jnp.float32),
            pltpu.VMEM((_CH, H), jnp.float32),
            pltpu.VMEM_SHARED((NR, H), jnp.float32),
            pltpu.SemaphoreType.DMA,
            pltpu.SemaphoreType.DMA,
        ],
    )
    def scatter_k(g_hbm, dst_hbm, zeros_hbm, out_hbm,
                  idxd_v, gbuf0, gbuf1, acc, si0, si1):
        c = lax.axis_index("c")
        s = lax.axis_index("s")
        w = s * _NC + c

        @pl.when(s == 0)
        def _():
            pltpu.sync_copy(zeros_hbm, acc)

        pltpu.sync_copy(dst_hbm.at[pl.ds(w * K, K)], idxd_v)
        plsc.subcore_barrier()

        def istart(ci, gbuf, si):
            base = (w * K + ci) * _CH
            pltpu.async_copy(g_hbm.at[pl.ds(base, _CH)], gbuf, si)

        def idrain(gbuf, si):
            pltpu.make_async_copy(g_hbm.at[pl.ds(0, _CH)], gbuf, si).wait()

        istart(0, gbuf0, si0)

        def body(t, carry):
            c0 = 2 * t
            c1 = c0 + 1
            istart(c1, gbuf1, si1)
            idrain(gbuf0, si0)
            pltpu.sync_copy(gbuf0, acc.at[idxd_v.at[c0]], add=True)

            @pl.when(t + 1 < Th)
            def _():
                istart(c0 + 2, gbuf0, si0)

            idrain(gbuf1, si1)
            pltpu.sync_copy(gbuf1, acc.at[idxd_v.at[c1]], add=True)
            return carry

        lax.fori_loop(0, Th, body, 0)
        plsc.subcore_barrier()

        @pl.when(s == 0)
        def _():
            pltpu.sync_copy(acc, out_hbm.at[c])

    return scatter_k



def _node_body(acc_ref, cnt_ref, h_ref, wv2_ref, bv2_ref, gv_ref, bbv_ref,
               out_ref):
    a = acc_ref[0] + acc_ref[1]
    cnt = cnt_ref[0][:, :1] + cnt_ref[1][:, :1]
    aggp = a / jnp.maximum(cnt, 1.0)
    agg = jnp.dot(aggp, wv2_ref[...], preferred_element_type=jnp.float32) \
        + bv2_ref[...] * (cnt > 0.0).astype(jnp.float32)
    out_ref[...] = _ln_rows(h_ref[...] + agg, gv_ref[...], bbv_ref[...])


def _node_update(ACC, CNT, h, Wv2T, bv2, g_v, b_v):
    N, H = h.shape
    grid = (N // _BLK_N,)
    return pl.pallas_call(
        _node_body,
        grid=grid,
        in_specs=[
            pl.BlockSpec((_NC, _BLK_N, H), lambda i: (0, i, 0)),
            pl.BlockSpec((_NC, _BLK_N, H), lambda i: (0, i, 0)),
            pl.BlockSpec((_BLK_N, H), lambda i: (i, 0)),
            pl.BlockSpec((H, H), lambda i: (0, 0)),
            pl.BlockSpec((1, H), lambda i: (0, 0)),
            pl.BlockSpec((1, H), lambda i: (0, 0)),
            pl.BlockSpec((1, H), lambda i: (0, 0)),
        ],
        out_specs=pl.BlockSpec((_BLK_N, H), lambda i: (i, 0)),
        out_shape=jax.ShapeDtypeStruct((N, H), jnp.float32),
    )(ACC, CNT, h, Wv2T, bv2, g_v, b_v)



def kernel(h, e, edge_index, We1, be1, We2, be2, Wv1, bv1, Wv2, bv2,
           g_e, b_e, g_v, b_v):
    N, H = h.shape
    E, ED = e.shape

    W1h = We1[:, :2 * H].T
    W1e = We1[:, 2 * H:].T
    W2 = We2.T
    Wvh = Wv1[:, :2 * H].T
    Wve = Wv1[:, 2 * H:].T
    Wv2T = Wv2.T

    K = -(-E // (_NW * _CH))
    K = K + (-K) % 8
    Ep = _NW * K * _CH
    pad = Ep - E
    NR = N + 8
    src_p = jnp.concatenate(
        [edge_index[0], jnp.zeros((pad,), jnp.int32)]).reshape(_NW * K, _CH)
    dstg_p = jnp.concatenate(
        [edge_index[1], jnp.zeros((pad,), jnp.int32)]).reshape(_NW * K, _CH)
    dsts_p = jnp.concatenate(
        [edge_index[1], jnp.full((pad,), N, jnp.int32)]).reshape(_NW * K, _CH)
    zeros = jnp.zeros((NR, H), jnp.float32)
    ones = jnp.ones((_CH, H), jnp.float32)

    r2 = lambda v: v.reshape(1, -1)

    HS, HD = _make_gather(Ep, K, H, N)(h, src_p, dstg_p)
    CNT = _make_counts(K, H, NR)(dsts_p, ones, zeros)
    G, EN = _edge_mlp(HS, HD, e, W1h.astype(jnp.bfloat16), W1e, W2,
                      Wvh.astype(jnp.bfloat16), Wve,
                      r2(be1), r2(be2), r2(bv1), r2(g_e), r2(b_e))
    ACC = _make_scatter(Ep, K, H, NR)(G, dsts_p, zeros)
    h_new = _node_update(ACC, CNT, h, Wv2T, r2(bv2), r2(g_v), r2(b_v))
    return (h_new, EN)

# --- scband reference (transcript-rebuilt; emitter-appended) ---
"""Pipeline reference for scband-evo-layer-23381801960015 (READ-ONLY COPY).

The authoritative reference and input builder live on the scoring server;
editing this copy changes nothing except your own understanding.
"""

import jax, jax.numpy as jnp
import numpy as np

N = 10000
E = 320000
H = 128
ED = 16


def _init_linear(key, out_f, in_f):
    k1, k2 = jax.random.split(key)
    bound = 1.0 / np.sqrt(in_f)
    W = jax.random.uniform(k1, (out_f, in_f), minval=-bound, maxval=bound, dtype=jnp.float32)
    b = jax.random.uniform(k2, (out_f,), minval=-bound, maxval=bound, dtype=jnp.float32)
    return W, b


def setup_inputs(seed: int = 0) -> dict:
    key = jax.random.key(seed)
    ks = jax.random.split(key, 8)
    h = jax.random.normal(ks[0], (N, H), dtype=jnp.float32)
    e = jax.random.normal(ks[1], (E, ED), dtype=jnp.float32)
    edge_index = jax.random.randint(ks[2], (2, E), 0, N, dtype=jnp.int32)
    We1, be1 = _init_linear(ks[3], ED, 2 * H + ED)
    We2, be2 = _init_linear(ks[4], ED, ED)
    Wv1, bv1 = _init_linear(ks[5], H, 2 * H + ED)
    Wv2, bv2 = _init_linear(ks[6], H, H)
    g_e = jnp.ones((ED,), dtype=jnp.float32)
    b_e = jnp.zeros((ED,), dtype=jnp.float32)
    g_v = jnp.ones((H,), dtype=jnp.float32)
    b_v = jnp.zeros((H,), dtype=jnp.float32)
    return {"h": h, "e": e, "edge_index": edge_index,
            "We1": We1, "be1": be1, "We2": We2, "be2": be2,
            "Wv1": Wv1, "bv1": bv1, "Wv2": Wv2, "bv2": bv2,
            "g_e": g_e, "b_e": b_e, "g_v": g_v, "b_v": b_v}


def _ln(x, g, b, eps=1e-5):
    mu = jnp.mean(x, axis=-1, keepdims=True)
    var = jnp.var(x, axis=-1, keepdims=True)
    return (x - mu) / jnp.sqrt(var + eps) * g + b


def reference(h, e, edge_index, We1, be1, We2, be2, Wv1, bv1, Wv2, bv2, g_e, b_e, g_v, b_v):
    # eval mode: dropout and edge_drop inactive (keep_expand = 1.0)
    src = edge_index[0]
    dst = edge_index[1]
    hs = jnp.take(h, src, axis=0)
    hd = jnp.take(h, dst, axis=0)
    x = jnp.concatenate([hs, hd, e], axis=-1)
    e_msg = jax.nn.gelu(x @ We1.T + be1, approximate=False) @ We2.T + be2
    e_new = _ln(e + e_msg, g_e, b_e)
    x2 = jnp.concatenate([hs, hd, e_new], axis=-1)
    m = jax.nn.gelu(x2 @ Wv1.T + bv1, approximate=False) @ Wv2.T + bv2
    agg = jax.ops.segment_sum(m, dst, num_segments=h.shape[0])
    counts = jax.ops.segment_sum(jnp.ones((m.shape[0], 1), m.dtype), dst, num_segments=h.shape[0])
    agg = agg / jnp.maximum(counts, 1.0)
    h_new = _ln(h + agg, g_v, b_v)
    return (h_new, e_new)

if __name__ == "__main__":
    import jax
    _d = setup_inputs()
    print(jax.jit(kernel)(*tuple(_d.values())))

</pallas_src>

<mosaic_0001>
#map = affine_map<(d0, d1) -> (0, 0)>
#map1 = affine_map<(d0, d1) -> (0, 0, 0)>
module attributes {stable_mosaic.version = 14 : i64} {
  func.func @counts_k(%arg0: i32, %arg1: i32, %arg2: memref<2560x128xi32, #tpu.memory_space<hbm>>, %arg3: memref<128x128xf32, #tpu.memory_space<hbm>>, %arg4: memref<10008x128xf32, #tpu.memory_space<hbm>>, %arg5: memref<2x10008x128xf32, #tpu.memory_space<hbm>>, %arg6: memref<80x128xi32, #tpu.memory_space<vmem>>, %arg7: memref<128x128xf32, #tpu.memory_space<vmem>>, %arg8: memref<10008x128xf32, #tpu.memory_space<vmem_shared>>, %arg9: memref<!tpu.dma_semaphore, #tpu.memory_space<semaphore_mem>>) attributes {dimension_semantics = [#tpu.dimension_semantics<core_parallel>, #tpu.dimension_semantics<subcore_parallel>], iteration_bounds = array<i64: 2, 16>, scalar_prefetch = 0 : i64, scratch_operands = 4 : i64, tpu.core_type = #tpu.core_type<sc_vector_subcore>, window_params = [{transform_indices = #map}, {transform_indices = #map}, {transform_indices = #map}, {transform_indices = #map1}]} {
    %mul3A = arith.constant 2 : i32
    %mul3A_0 = arith.muli %arg1, %mul3A : i32
    %add3A = arith.addi %mul3A_0, %arg0 : i32
    %eq3A = arith.constant 0 : i32
    %eq3A_1 = arith.cmpi eq, %arg1, %eq3A : i32
    %convert_element_type3A = arith.extui %eq3A_1 : i1 to i32
    %cond3A = arith.constant 0 : i32
    %cond3A_2 = arith.cmpi ne, %convert_element_type3A, %cond3A : i32
    scf.if %cond3A_2 {
      "tpu.region"() ({
        %run_scoped3A = tpu.sem_alloc : memref<!tpu.dma_semaphore, #tpu.memory_space<semaphore_mem>>
        tpu.enqueue_dma source(%arg4 : memref<10008x128xf32, #tpu.memory_space<hbm>>) target(%arg8 : memref<10008x128xf32, #tpu.memory_space<vmem_shared>>) target_semaphore(%run_scoped3A : memref<!tpu.dma_semaphore, #tpu.memory_space<semaphore_mem>>)
        tpu.wait_dma2 semaphore(%run_scoped3A : memref<!tpu.dma_semaphore, #tpu.memory_space<semaphore_mem>>) src(%arg4 : memref<10008x128xf32, #tpu.memory_space<hbm>>) dst(%arg8 : memref<10008x128xf32, #tpu.memory_space<vmem_shared>>)
        tpu.yield
      }) : () -> ()
    } else {
    }
    %mul3A_3 = arith.constant 80 : i32
    %mul3A_4 = arith.muli %add3A, %mul3A_3 : i32
    "tpu.region"() ({
      %run_scoped3A = tpu.sem_alloc : memref<!tpu.dma_semaphore, #tpu.memory_space<semaphore_mem>>
      %dma_start3A = arith.constant 0 : i32
      %dma_start3A_16 = tpu.memref_slice %arg2[%mul3A_4, %dma_start3A] : memref<2560x128xi32, #tpu.memory_space<hbm>> -> memref<80x128xi32, #tpu.memory_space<hbm>>
      %dma_start3A_17 = arith.constant 0 : i32
      %dma_start3A_18 = tpu.memref_slice %arg2[%mul3A_4, %dma_start3A_17] : memref<2560x128xi32, #tpu.memory_space<hbm>> -> memref<80x128xi32, #tpu.memory_space<hbm>>
      tpu.enqueue_dma source(%dma_start3A_18 : memref<80x128xi32, #tpu.memory_space<hbm>>) target(%arg6 : memref<80x128xi32, #tpu.memory_space<vmem>>) target_semaphore(%run_scoped3A : memref<!tpu.dma_semaphore, #tpu.memory_space<semaphore_mem>>)
      %dma_wait3A = arith.constant 0 : i32
      %dma_wait3A_19 = tpu.memref_slice %arg2[%mul3A_4, %dma_wait3A] : memref<2560x128xi32, #tpu.memory_space<hbm>> -> memref<80x128xi32, #tpu.memory_space<hbm>>
      %dma_wait3A_20 = arith.constant 0 : i32
      %dma_wait3A_21 = tpu.memref_slice %arg2[%mul3A_4, %dma_wait3A_20] : memref<2560x128xi32, #tpu.memory_space<hbm>> -> memref<80x128xi32, #tpu.memory_space<hbm>>
      tpu.wait_dma2 semaphore(%run_scoped3A : memref<!tpu.dma_semaphore, #tpu.memory_space<semaphore_mem>>) src(%dma_wait3A_21 : memref<80x128xi32, #tpu.memory_space<hbm>>) dst(%arg6 : memref<80x128xi32, #tpu.memory_space<vmem>>)
      tpu.yield
    }) : () -> ()
    "tpu.region"() ({
      %run_scoped3A = tpu.sem_alloc : memref<!tpu.dma_semaphore, #tpu.memory_space<semaphore_mem>>
      tpu.enqueue_dma source(%arg3 : memref<128x128xf32, #tpu.memory_space<hbm>>) target(%arg7 : memref<128x128xf32, #tpu.memory_space<vmem>>) target_semaphore(%run_scoped3A : memref<!tpu.dma_semaphore, #tpu.memory_space<semaphore_mem>>)
      tpu.wait_dma2 semaphore(%run_scoped3A : memref<!tpu.dma_semaphore, #tpu.memory_space<semaphore_mem>>) src(%arg3 : memref<128x128xf32, #tpu.memory_space<hbm>>) dst(%arg7 : memref<128x128xf32, #tpu.memory_space<vmem>>)
      tpu.yield
    }) : () -> ()
    %barrier3A = arith.constant 0 : index
    tpu.barrier barrier_id(%barrier3A)
    %scan3A = arith.constant 0 : i32
    %scan3A_5 = arith.constant 0 : i32
    %scan3A_6 = arith.constant 10 : i32
    %scan3A_7 = arith.addi %scan3A_5, %scan3A_6 : i32
    %scan3A_8 = arith.constant 1 : i32
    scf.for %scan3A_16 = %scan3A_5 to %scan3A_7 step %scan3A_8  : i32 {
      %mul3A_17 = arith.constant 8 : i32
      %mul3A_18 = arith.muli %scan3A_16, %mul3A_17 : i32
      %add3A_19 = arith.constant 0 : i32
      %add3A_20 = arith.addi %mul3A_18, %add3A_19 : i32
      %dma_start3A = arith.constant 0 : i32
      %dma_start3A_21 = tpu.memref_slice %arg6[%add3A_20, %dma_start3A] : memref<80x128xi32, #tpu.memory_space<vmem>> -> memref<1x128xi32, #tpu.memory_space<vmem>>
      %dma_start3A_22 = tpu.memref_squeeze %dma_start3A_21 : memref<1x128xi32, #tpu.memory_space<vmem>> -> memref<128xi32, #tpu.memory_space<vmem>>
      %dma_start3A_23 = arith.constant 0 : i32
      %dma_start3A_24 = arith.constant 0 : i32
      %dma_start3A_25 = tpu.memref_slice %arg8[%dma_start3A_23, %dma_start3A_24] : memref<10008x128xf32, #tpu.memory_space<vmem_shared>> -> memref<10008x128xf32, #tpu.memory_space<vmem_shared>>
      tpu.enqueue_indirect_dma source(%arg7 : memref<128x128xf32, #tpu.memory_space<vmem>>) target(%dma_start3A_25 : memref<10008x128xf32, #tpu.memory_space<vmem_shared>>) offsets(%dma_start3A_22 : memref<128xi32, #tpu.memory_space<vmem>>) semaphore(%arg9 : memref<!tpu.dma_semaphore, #tpu.memory_space<semaphore_mem>>) {add = true}
      %mul3A_26 = arith.constant 8 : i32
      %mul3A_27 = arith.muli %scan3A_16, %mul3A_26 : i32
      %add3A_28 = arith.constant 1 : i32
      %add3A_29 = arith.addi %mul3A_27, %add3A_28 : i32
      %dma_start3A_30 = arith.constant 0 : i32
      %dma_start3A_31 = tpu.memref_slice %arg6[%add3A_29, %dma_start3A_30] : memref<80x128xi32, #tpu.memory_space<vmem>> -> memref<1x128xi32, #tpu.memory_space<vmem>>
      %dma_start3A_32 = tpu.memref_squeeze %dma_start3A_31 : memref<1x128xi32, #tpu.memory_space<vmem>> -> memref<128xi32, #tpu.memory_space<vmem>>
      %dma_start3A_33 = arith.constant 0 : i32
      %dma_start3A_34 = arith.constant 0 : i32
      %dma_start3A_35 = tpu.memref_slice %arg8[%dma_start3A_33, %dma_start3A_34] : memref<10008x128xf32, #tpu.memory_space<vmem_shared>> -> memref<10008x128xf32, #tpu.memory_space<vmem_shared>>
      tpu.enqueue_indirect_dma source(%arg7 : memref<128x128xf32, #tpu.memory_space<vmem>>) target(%dma_start3A_35 : memref<10008x128xf32, #tpu.memory_space<vmem_shared>>) offsets(%dma_start3A_32 : memref<128xi32, #tpu.memory_space<vmem>>) semaphore(%arg9 : memref<!tpu.dma_semaphore, #tpu.memory_space<semaphore_mem>>) {add = true}
      %mul3A_36 = arith.constant 8 : i32
      %mul3A_37 = arith.muli %scan3A_16, %mul3A_36 : i32
      %add3A_38 = arith.constant 2 : i32
      %add3A_39 = arith.addi %mul3A_37, %add3A_38 : i32
      %dma_start3A_40 = arith.constant 0 : i32
      %dma_start3A_41 = tpu.memref_slice %arg6[%add3A_39, %dma_start3A_40] : memref<80x128xi32, #tpu.memory_space<vmem>> -> memref<1x128xi32, #tpu.memory_space<vmem>>
      %dma_start3A_42 = tpu.memref_squeeze %dma_start3A_41 : memref<1x128xi32, #tpu.memory_space<vmem>> -> memref<128xi32, #tpu.memory_space<vmem>>
      %dma_start3A_43 = arith.constant 0 : i32
      %dma_start3A_44 = arith.constant 0 : i32
      %dma_start3A_45 = tpu.memref_slice %arg8[%dma_start3A_43, %dma_start3A_44] : memref<10008x128xf32, #tpu.memory_space<vmem_shared>> -> memref<10008x128xf32, #tpu.memory_space<vmem_shared>>
      tpu.enqueue_indirect_dma source(%arg7 : memref<128x128xf32, #tpu.memory_space<vmem>>) target(%dma_start3A_45 : memref<10008x128xf32, #tpu.memory_space<vmem_shared>>) offsets(%dma_start3A_42 : memref<128xi32, #tpu.memory_space<vmem>>) semaphore(%arg9 : memref<!tpu.dma_semaphore, #tpu.memory_space<semaphore_mem>>) {add = true}
      %mul3A_46 = arith.constant 8 : i32
      %mul3A_47 = arith.muli %scan3A_16, %mul3A_46 : i32
      %add3A_48 = arith.constant 3 : i32
      %add3A_49 = arith.addi %mul3A_47, %add3A_48 : i32
      %dma_start3A_50 = arith.constant 0 : i32
      %dma_start3A_51 = tpu.memref_slice %arg6[%add3A_49, %dma_start3A_50] : memref<80x128xi32, #tpu.memory_space<vmem>> -> memref<1x128xi32, #tpu.memory_space<vmem>>
      %dma_start3A_52 = tpu.memref_squeeze %dma_start3A_51 : memref<1x128xi32, #tpu.memory_space<vmem>> -> memref<128xi32, #tpu.memory_space<vmem>>
      %dma_start3A_53 = arith.constant 0 : i32
      %dma_start3A_54 = arith.constant 0 : i32
      %dma_start3A_55 = tpu.memref_slice %arg8[%dma_start3A_53, %dma_start3A_54] : memref<10008x128xf32, #tpu.memory_space<vmem_shared>> -> memref<10008x128xf32, #tpu.memory_space<vmem_shared>>
      tpu.enqueue_indirect_dma source(%arg7 : memref<128x128xf32, #tpu.memory_space<vmem>>) target(%dma_start3A_55 : memref<10008x128xf32, #tpu.memory_space<vmem_shared>>) offsets(%dma_start3A_52 : memref<128xi32, #tpu.memory_space<vmem>>) semaphore(%arg9 : memref<!tpu.dma_semaphore, #tpu.memory_space<semaphore_mem>>) {add = true}
      %mul3A_56 = arith.constant 8 : i32
      %mul3A_57 = arith.muli %scan3A_16, %mul3A_56 : i32
      %add3A_58 = arith.constant 4 : i32
      %add3A_59 = arith.addi %mul3A_57, %add3A_58 : i32
      %dma_start3A_60 = arith.constant 0 : i32
      %dma_start3A_61 = tpu.memref_slice %arg6[%add3A_59, %dma_start3A_60] : memref<80x128xi32, #tpu.memory_space<vmem>> -> memref<1x128xi32, #tpu.memory_space<vmem>>
      %dma_start3A_62 = tpu.memref_squeeze %dma_start3A_61 : memref<1x128xi32, #tpu.memory_space<vmem>> -> memref<128xi32, #tpu.memory_space<vmem>>
      %dma_start3A_63 = arith.constant 0 : i32
      %dma_start3A_64 = arith.constant 0 : i32
      %dma_start3A_65 = tpu.memref_slice %arg8[%dma_start3A_63, %dma_start3A_64] : memref<10008x128xf32, #tpu.memory_space<vmem_shared>> -> memref<10008x128xf32, #tpu.memory_space<vmem_shared>>
      tpu.enqueue_indirect_dma source(%arg7 : memref<128x128xf32, #tpu.memory_space<vmem>>) target(%dma_start3A_65 : memref<10008x128xf32, #tpu.memory_space<vmem_shared>>) offsets(%dma_start3A_62 : memref<128xi32, #tpu.memory_space<vmem>>) semaphore(%arg9 : memref<!tpu.dma_semaphore, #tpu.memory_space<semaphore_mem>>) {add = true}
      %mul3A_66 = arith.constant 8 : i32
      %mul3A_67 = arith.muli %scan3A_16, %mul3A_66 : i32
      %add3A_68 = arith.constant 5 : i32
      %add3A_69 = arith.addi %mul3A_67, %add3A_68 : i32
      %dma_start3A_70 = arith.constant 0 : i32
      %dma_start3A_71 = tpu.memref_slice %arg6[%add3A_69, %dma_start3A_70] : memref<80x128xi32, #tpu.memory_space<vmem>> -> memref<1x128xi32, #tpu.memory_space<vmem>>
      %dma_start3A_72 = tpu.memref_squeeze %dma_start3A_71 : memref<1x128xi32, #tpu.memory_space<vmem>> -> memref<128xi32, #tpu.memory_space<vmem>>
      %dma_start3A_73 = arith.constant 0 : i32
      %dma_start3A_74 = arith.constant 0 : i32
      %dma_start3A_75 = tpu.memref_slice %arg8[%dma_start3A_73, %dma_start3A_74] : memref<10008x128xf32, #tpu.memory_space<vmem_shared>> -> memref<10008x128xf32, #tpu.memory_space<vmem_shared>>
      tpu.enqueue_indirect_dma source(%arg7 : memref<128x128xf32, #tpu.memory_space<vmem>>) target(%dma_start3A_75 : memref<10008x128xf32, #tpu.memory_space<vmem_shared>>) offsets(%dma_start3A_72 : memref<128xi32, #tpu.memory_space<vmem>>) semaphore(%arg9 : memref<!tpu.dma_semaphore, #tpu.memory_space<semaphore_mem>>) {add = true}
      %mul3A_76 = arith.constant 8 : i32
      %mul3A_77 = arith.muli %scan3A_16, %mul3A_76 : i32
      %add3A_78 = arith.constant 6 : i32
      %add3A_79 = arith.addi %mul3A_77, %add3A_78 : i32
      %dma_start3A_80 = arith.constant 0 : i32
      %dma_start3A_81 = tpu.memref_slice %arg6[%add3A_79, %dma_start3A_80] : memref<80x128xi32, #tpu.memory_space<vmem>> -> memref<1x128xi32, #tpu.memory_space<vmem>>
      %dma_start3A_82 = tpu.memref_squeeze %dma_start3A_81 : memref<1x128xi32, #tpu.memory_space<vmem>> -> memref<128xi32, #tpu.memory_space<vmem>>
      %dma_start3A_83 = arith.constant 0 : i32
      %dma_start3A_84 = arith.constant 0 : i32
      %dma_start3A_85 = tpu.memref_slice %arg8[%dma_start3A_83, %dma_start3A_84] : memref<10008x128xf32, #tpu.memory_space<vmem_shared>> -> memref<10008x128xf32, #tpu.memory_space<vmem_shared>>
      tpu.enqueue_indirect_dma source(%arg7 : memref<128x128xf32, #tpu.memory_space<vmem>>) target(%dma_start3A_85 : memref<10008x128xf32, #tpu.memory_space<vmem_shared>>) offsets(%dma_start3A_82 : memref<128xi32, #tpu.memory_space<vmem>>) semaphore(%arg9 : memref<!tpu.dma_semaphore, #tpu.memory_space<semaphore_mem>>) {add = true}
      %mul3A_86 = arith.constant 8 : i32
      %mul3A_87 = arith.muli %scan3A_16, %mul3A_86 : i32
      %add3A_88 = arith.constant 7 : i32
      %add3A_89 = arith.addi %mul3A_87, %add3A_88 : i32
      %dma_start3A_90 = arith.constant 0 : i32
      %dma_start3A_91 = tpu.memref_slice %arg6[%add3A_89, %dma_start3A_90] : memref<80x128xi32, #tpu.memory_space<vmem>> -> memref<1x128xi32, #tpu.memory_space<vmem>>
      %dma_start3A_92 = tpu.memref_squeeze %dma_start3A_91 : memref<1x128xi32, #tpu.memory_space<vmem>> -> memref<128xi32, #tpu.memory_space<vmem>>
      %dma_start3A_93 = arith.constant 0 : i32
      %dma_start3A_94 = arith.constant 0 : i32
      %dma_start3A_95 = tpu.memref_slice %arg8[%dma_start3A_93, %dma_start3A_94] : memref<10008x128xf32, #tpu.memory_space<vmem_shared>> -> memref<10008x128xf32, #tpu.memory_space<vmem_shared>>
      tpu.enqueue_indirect_dma source(%arg7 : memref<128x128xf32, #tpu.memory_space<vmem>>) target(%dma_start3A_95 : memref<10008x128xf32, #tpu.memory_space<vmem_shared>>) offsets(%dma_start3A_92 : memref<128xi32, #tpu.memory_space<vmem>>) semaphore(%arg9 : memref<!tpu.dma_semaphore, #tpu.memory_space<semaphore_mem>>) {add = true}
      %dma_wait3A = arith.constant 0 : i32
      %dma_wait3A_96 = arith.constant 0 : i32
      %dma_wait3A_97 = tpu.memref_slice %arg6[%dma_wait3A, %dma_wait3A_96] : memref<80x128xi32, #tpu.memory_space<vmem>> -> memref<1x128xi32, #tpu.memory_space<vmem>>
      %dma_wait3A_98 = tpu.memref_squeeze %dma_wait3A_97 : memref<1x128xi32, #tpu.memory_space<vmem>> -> memref<128xi32, #tpu.memory_space<vmem>>
      %dma_wait3A_99 = arith.constant 0 : i32
      %dma_wait3A_100 = arith.constant 0 : i32
      %dma_wait3A_101 = tpu.memref_slice %arg8[%dma_wait3A_99, %dma_wait3A_100] : memref<10008x128xf32, #tpu.memory_space<vmem_shared>> -> memref<10008x128xf32, #tpu.memory_space<vmem_shared>>
      tpu.wait_indirect_dma semaphore(%arg9 : memref<!tpu.dma_semaphore, #tpu.memory_space<semaphore_mem>>) src(%arg7 : memref<128x128xf32, #tpu.memory_space<vmem>>) dst(%dma_wait3A_101 : memref<10008x128xf32, #tpu.memory_space<vmem_shared>>)
      %dma_wait3A_102 = arith.constant 0 : i32
      %dma_wait3A_103 = arith.constant 0 : i32
      %dma_wait3A_104 = tpu.memref_slice %arg6[%dma_wait3A_102, %dma_wait3A_103] : memref<80x128xi32, #tpu.memory_space<vmem>> -> memref<1x128xi32, #tpu.memory_space<vmem>>
      %dma_wait3A_105 = tpu.memref_squeeze %dma_wait3A_104 : memref<1x128xi32, #tpu.memory_space<vmem>> -> memref<128xi32, #tpu.memory_space<vmem>>
      %dma_wait3A_106 = arith.constant 0 : i32
      %dma_wait3A_107 = arith.constant 0 : i32
      %dma_wait3A_108 = tpu.memref_slice %arg8[%dma_wait3A_106, %dma_wait3A_107] : memref<10008x128xf32, #tpu.memory_space<vmem_shared>> -> memref<10008x128xf32, #tpu.memory_space<vmem_shared>>
      tpu.wait_indirect_dma semaphore(%arg9 : memref<!tpu.dma_semaphore, #tpu.memory_space<semaphore_mem>>) src(%arg7 : memref<128x128xf32, #tpu.memory_space<vmem>>) dst(%dma_wait3A_108 : memref<10008x128xf32, #tpu.memory_space<vmem_shared>>)
      %dma_wait3A_109 = arith.constant 0 : i32
      %dma_wait3A_110 = arith.constant 0 : i32
      %dma_wait3A_111 = tpu.memref_slice %arg6[%dma_wait3A_109, %dma_wait3A_110] : memref<80x128xi32, #tpu.memory_space<vmem>> -> memref<1x128xi32, #tpu.memory_space<vmem>>
      %dma_wait3A_112 = tpu.memref_squeeze %dma_wait3A_111 : memref<1x128xi32, #tpu.memory_space<vmem>> -> memref<128xi32, #tpu.memory_space<vmem>>
      %dma_wait3A_113 = arith.constant 0 : i32
      %dma_wait3A_114 = arith.constant 0 : i32
      %dma_wait3A_115 = tpu.memref_slice %arg8[%dma_wait3A_113, %dma_wait3A_114] : memref<10008x128xf32, #tpu.memory_space<vmem_shared>> -> memref<10008x128xf32, #tpu.memory_space<vmem_shared>>
      tpu.wait_indirect_dma semaphore(%arg9 : memref<!tpu.dma_semaphore, #tpu.memory_space<semaphore_mem>>) src(%arg7 : memref<128x128xf32, #tpu.memory_space<vmem>>) dst(%dma_wait3A_115 : memref<10008x128xf32, #tpu.memory_space<vmem_shared>>)
      %dma_wait3A_116 = arith.constant 0 : i32
      %dma_wait3A_117 = arith.constant 0 : i32
      %dma_wait3A_118 = tpu.memref_slice %arg6[%dma_wait3A_116, %dma_wait3A_117] : memref<80x128xi32, #tpu.memory_space<vmem>> -> memref<1x128xi32, #tpu.memory_space<vmem>>
      %dma_wait3A_119 = tpu.memref_squeeze %dma_wait3A_118 : memref<1x128xi32, #tpu.memory_space<vmem>> -> memref<128xi32, #tpu.memory_space<vmem>>
      %dma_wait3A_120 = arith.constant 0 : i32
      %dma_wait3A_121 = arith.constant 0 : i32
      %dma_wait3A_122 = tpu.memref_slice %arg8[%dma_wait3A_120, %dma_wait3A_121] : memref<10008x128xf32, #tpu.memory_space<vmem_shared>> -> memref<10008x128xf32, #tpu.memory_space<vmem_shared>>
      tpu.wait_indirect_dma semaphore(%arg9 : memref<!tpu.dma_semaphore, #tpu.memory_space<semaphore_mem>>) src(%arg7 : memref<128x128xf32, #tpu.memory_space<vmem>>) dst(%dma_wait3A_122 : memref<10008x128xf32, #tpu.memory_space<vmem_shared>>)
      %dma_wait3A_123 = arith.constant 0 : i32
      %dma_wait3A_124 = arith.constant 0 : i32
      %dma_wait3A_125 = tpu.memref_slice %arg6[%dma_wait3A_123, %dma_wait3A_124] : memref<80x128xi32, #tpu.memory_space<vmem>> -> memref<1x128xi32, #tpu.memory_space<vmem>>
      %dma_wait3A_126 = tpu.memref_squeeze %dma_wait3A_125 : memref<1x128xi32, #tpu.memory_space<vmem>> -> memref<128xi32, #tpu.memory_space<vmem>>
      %dma_wait3A_127 = arith.constant 0 : i32
      %dma_wait3A_128 = arith.constant 0 : i32
      %dma_wait3A_129 = tpu.memref_slice %arg8[%dma_wait3A_127, %dma_wait3A_128] : memref<10008x128xf32, #tpu.memory_space<vmem_shared>> -> memref<10008x128xf32, #tpu.memory_space<vmem_shared>>
      tpu.wait_indirect_dma semaphore(%arg9 : memref<!tpu.dma_semaphore, #tpu.memory_space<semaphore_mem>>) src(%arg7 : memref<128x128xf32, #tpu.memory_space<vmem>>) dst(%dma_wait3A_129 : memref<10008x128xf32, #tpu.memory_space<vmem_shared>>)
      %dma_wait3A_130 = arith.constant 0 : i32
      %dma_wait3A_131 = arith.constant 0 : i32
      %dma_wait3A_132 = tpu.memref_slice %arg6[%dma_wait3A_130, %dma_wait3A_131] : memref<80x128xi32, #tpu.memory_space<vmem>> -> memref<1x128xi32, #tpu.memory_space<vmem>>
      %dma_wait3A_133 = tpu.memref_squeeze %dma_wait3A_132 : memref<1x128xi32, #tpu.memory_space<vmem>> -> memref<128xi32, #tpu.memory_space<vmem>>
      %dma_wait3A_134 = arith.constant 0 : i32
      %dma_wait3A_135 = arith.constant 0 : i32
      %dma_wait3A_136 = tpu.memref_slice %arg8[%dma_wait3A_134, %dma_wait3A_135] : memref<10008x128xf32, #tpu.memory_space<vmem_shared>> -> memref<10008x128xf32, #tpu.memory_space<vmem_shared>>
      tpu.wait_indirect_dma semaphore(%arg9 : memref<!tpu.dma_semaphore, #tpu.memory_space<semaphore_mem>>) src(%arg7 : memref<128x128xf32, #tpu.memory_space<vmem>>) dst(%dma_wait3A_136 : memref<10008x128xf32, #tpu.memory_space<vmem_shared>>)
      %dma_wait3A_137 = arith.constant 0 : i32
      %dma_wait3A_138 = arith.constant 0 : i32
      %dma_wait3A_139 = tpu.memref_slice %arg6[%dma_wait3A_137, %dma_wait3A_138] : memref<80x128xi32, #tpu.memory_space<vmem>> -> memref<1x128xi32, #tpu.memory_space<vmem>>
      %dma_wait3A_140 = tpu.memref_squeeze %dma_wait3A_139 : memref<1x128xi32, #tpu.memory_space<vmem>> -> memref<128xi32, #tpu.memory_space<vmem>>
      %dma_wait3A_141 = arith.constant 0 : i32
      %dma_wait3A_142 = arith.constant 0 : i32
      %dma_wait3A_143 = tpu.memref_slice %arg8[%dma_wait3A_141, %dma_wait3A_142] : memref<10008x128xf32, #tpu.memory_space<vmem_shared>> -> memref<10008x128xf32, #tpu.memory_space<vmem_shared>>
      tpu.wait_indirect_dma semaphore(%arg9 : memref<!tpu.dma_semaphore, #tpu.memory_space<semaphore_mem>>) src(%arg7 : memref<128x128xf32, #tpu.memory_space<vmem>>) dst(%dma_wait3A_143 : memref<10008x128xf32, #tpu.memory_space<vmem_shared>>)
      %dma_wait3A_144 = arith.constant 0 : i32
      %dma_wait3A_145 = arith.constant 0 : i32
      %dma_wait3A_146 = tpu.memref_slice %arg6[%dma_wait3A_144, %dma_wait3A_145] : memref<80x128xi32, #tpu.memory_space<vmem>> -> memref<1x128xi32, #tpu.memory_space<vmem>>
      %dma_wait3A_147 = tpu.memref_squeeze %dma_wait3A_146 : memref<1x128xi32, #tpu.memory_space<vmem>> -> memref<128xi32, #tpu.memory_space<vmem>>
      %dma_wait3A_148 = arith.constant 0 : i32
      %dma_wait3A_149 = arith.constant 0 : i32
      %dma_wait3A_150 = tpu.memref_slice %arg8[%dma_wait3A_148, %dma_wait3A_149] : memref<10008x128xf32, #tpu.memory_space<vmem_shared>> -> memref<10008x128xf32, #tpu.memory_space<vmem_shared>>
      tpu.wait_indirect_dma semaphore(%arg9 : memref<!tpu.dma_semaphore, #tpu.memory_space<semaphore_mem>>) src(%arg7 : memref<128x128xf32, #tpu.memory_space<vmem>>) dst(%dma_wait3A_150 : memref<10008x128xf32, #tpu.memory_space<vmem_shared>>)
    }
    %scan3A_9 = arith.constant 10 : i32
    %barrier3A_10 = arith.constant 0 : index
    tpu.barrier barrier_id(%barrier3A_10)
    %eq3A_11 = arith.constant 0 : i32
    %eq3A_12 = arith.cmpi eq, %arg1, %eq3A_11 : i32
    %convert_element_type3A_13 = arith.extui %eq3A_12 : i1 to i32
    %cond3A_14 = arith.constant 0 : i32
    %cond3A_15 = arith.cmpi ne, %convert_element_type3A_13, %cond3A_14 : i32
    scf.if %cond3A_15 {
      "tpu.region"() ({
        %run_scoped3A = tpu.sem_alloc : memref<!tpu.dma_semaphore, #tpu.memory_space<semaphore_mem>>
        %dma_start3A = arith.constant 0 : i32
        %dma_start3A_16 = arith.constant 0 : i32
        %dma_start3A_17 = tpu.memref_slice %arg5[%arg0, %dma_start3A, %dma_start3A_16] : memref<2x10008x128xf32, #tpu.memory_space<hbm>> -> memref<1x10008x128xf32, #tpu.memory_space<hbm>>
        %dma_start3A_18 = tpu.memref_squeeze %dma_start3A_17 : memref<1x10008x128xf32, #tpu.memory_space<hbm>> -> memref<10008x128xf32, #tpu.memory_space<hbm>>
        tpu.enqueue_dma source(%arg8 : memref<10008x128xf32, #tpu.memory_space<vmem_shared>>) target(%dma_start3A_18 : memref<10008x128xf32, #tpu.memory_space<hbm>>) target_semaphore(%run_scoped3A : memref<!tpu.dma_semaphore, #tpu.memory_space<semaphore_mem>>)
        %dma_wait3A = arith.constant 0 : i32
        %dma_wait3A_19 = arith.constant 0 : i32
        %dma_wait3A_20 = tpu.memref_slice %arg5[%arg0, %dma_wait3A, %dma_wait3A_19] : memref<2x10008x128xf32, #tpu.memory_space<hbm>> -> memref<1x10008x128xf32, #tpu.memory_space<hbm>>
        %dma_wait3A_21 = tpu.memref_squeeze %dma_wait3A_20 : memref<1x10008x128xf32, #tpu.memory_space<hbm>> -> memref<10008x128xf32, #tpu.memory_space<hbm>>
        tpu.wait_dma2 semaphore(%run_scoped3A : memref<!tpu.dma_semaphore, #tpu.memory_space<semaphore_mem>>) src(%arg8 : memref<10008x128xf32, #tpu.memory_space<vmem_shared>>) dst(%dma_wait3A_21 : memref<10008x128xf32, #tpu.memory_space<hbm>>)
        tpu.yield
      }) : () -> ()
    } else {
    }
    return
  }
}

#map = affine_map<(d0, d1) -> (0, 0)>
#map1 = affine_map<(d0, d1) -> (0, 0, 0)>
module attributes {stable_mosaic.version = 14 : i64} {
  func.func @scatter_k(%arg0: i32, %arg1: i32, %arg2: memref<327680x128xf32, #tpu.memory_space<hbm>>, %arg3: memref<2560x128xi32, #tpu.memory_space<hbm>>, %arg4: memref<10008x128xf32, #tpu.memory_space<hbm>>, %arg5: memref<2x10008x128xf32, #tpu.memory_space<hbm>>, %arg6: memref<80x128xi32, #tpu.memory_space<vmem>>, %arg7: memref<128x128xf32, #tpu.memory_space<vmem>>, %arg8: memref<128x128xf32, #tpu.memory_space<vmem>>, %arg9: memref<10008x128xf32, #tpu.memory_space<vmem_shared>>, %arg10: memref<!tpu.dma_semaphore, #tpu.memory_space<semaphore_mem>>, %arg11: memref<!tpu.dma_semaphore, #tpu.memory_space<semaphore_mem>>) attributes {dimension_semantics = [#tpu.dimension_semantics<core_parallel>, #tpu.dimension_semantics<subcore_parallel>], iteration_bounds = array<i64: 2, 16>, scalar_prefetch = 0 : i64, scratch_operands = 6 : i64, tpu.core_type = #tpu.core_type<sc_vector_subcore>, window_params = [{transform_indices = #map}, {transform_indices = #map}, {transform_indices = #map}, {transform_indices = #map1}]} {
    %mul3A = arith.constant 2 : i32
    %mul3A_0 = arith.muli %arg1, %mul3A : i32
    %add3A = arith.addi %mul3A_0, %arg0 : i32
    %eq3A = arith.constant 0 : i32
    %eq3A_1 = arith.cmpi eq, %arg1, %eq3A : i32
    %convert_element_type3A = arith.extui %eq3A_1 : i1 to i32
    %cond3A = arith.constant 0 : i32
    %cond3A_2 = arith.cmpi ne, %convert_element_type3A, %cond3A : i32
    scf.if %cond3A_2 {
      "tpu.region"() ({
        %run_scoped3A = tpu.sem_alloc : memref<!tpu.dma_semaphore, #tpu.memory_space<semaphore_mem>>
        tpu.enqueue_dma source(%arg4 : memref<10008x128xf32, #tpu.memory_space<hbm>>) target(%arg9 : memref<10008x128xf32, #tpu.memory_space<vmem_shared>>) target_semaphore(%run_scoped3A : memref<!tpu.dma_semaphore, #tpu.memory_space<semaphore_mem>>)
        tpu.wait_dma2 semaphore(%run_scoped3A : memref<!tpu.dma_semaphore, #tpu.memory_space<semaphore_mem>>) src(%arg4 : memref<10008x128xf32, #tpu.memory_space<hbm>>) dst(%arg9 : memref<10008x128xf32, #tpu.memory_space<vmem_shared>>)
        tpu.yield
      }) : () -> ()
    } else {
    }
    %mul3A_3 = arith.constant 80 : i32
    %mul3A_4 = arith.muli %add3A, %mul3A_3 : i32
    "tpu.region"() ({
      %run_scoped3A = tpu.sem_alloc : memref<!tpu.dma_semaphore, #tpu.memory_space<semaphore_mem>>
      %dma_start3A_25 = arith.constant 0 : i32
      %dma_start3A_26 = tpu.memref_slice %arg3[%mul3A_4, %dma_start3A_25] : memref<2560x128xi32, #tpu.memory_space<hbm>> -> memref<80x128xi32, #tpu.memory_space<hbm>>
      %dma_start3A_27 = arith.constant 0 : i32
      %dma_start3A_28 = tpu.memref_slice %arg3[%mul3A_4, %dma_start3A_27] : memref<2560x128xi32, #tpu.memory_space<hbm>> -> memref<80x128xi32, #tpu.memory_space<hbm>>
      tpu.enqueue_dma source(%dma_start3A_28 : memref<80x128xi32, #tpu.memory_space<hbm>>) target(%arg6 : memref<80x128xi32, #tpu.memory_space<vmem>>) target_semaphore(%run_scoped3A : memref<!tpu.dma_semaphore, #tpu.memory_space<semaphore_mem>>)
      %dma_wait3A = arith.constant 0 : i32
      %dma_wait3A_29 = tpu.memref_slice %arg3[%mul3A_4, %dma_wait3A] : memref<2560x128xi32, #tpu.memory_space<hbm>> -> memref<80x128xi32, #tpu.memory_space<hbm>>
      %dma_wait3A_30 = arith.constant 0 : i32
      %dma_wait3A_31 = tpu.memref_slice %arg3[%mul3A_4, %dma_wait3A_30] : memref<2560x128xi32, #tpu.memory_space<hbm>> -> memref<80x128xi32, #tpu.memory_space<hbm>>
      tpu.wait_dma2 semaphore(%run_scoped3A : memref<!tpu.dma_semaphore, #tpu.memory_space<semaphore_mem>>) src(%dma_wait3A_31 : memref<80x128xi32, #tpu.memory_space<hbm>>) dst(%arg6 : memref<80x128xi32, #tpu.memory_space<vmem>>)
      tpu.yield
    }) : () -> ()
    %barrier3A = arith.constant 0 : index
    tpu.barrier barrier_id(%barrier3A)
    %mul3A_5 = arith.constant 80 : i32
    %mul3A_6 = arith.muli %add3A, %mul3A_5 : i32
    %add3A_7 = arith.constant 0 : i32
    %add3A_8 = arith.addi %mul3A_6, %add3A_7 : i32
    %mul3A_9 = arith.constant 128 : i32
    %mul3A_10 = arith.muli %add3A_8, %mul3A_9 : i32
    %dma_start3A = arith.constant 0 : i32
    %dma_start3A_11 = tpu.memref_slice %arg2[%mul3A_10, %dma_start3A] : memref<327680x128xf32, #tpu.memory_space<hbm>> -> memref<128x128xf32, #tpu.memory_space<hbm>>
    %dma_start3A_12 = arith.constant 0 : i32
    %dma_start3A_13 = tpu.memref_slice %arg2[%mul3A_10, %dma_start3A_12] : memref<327680x128xf32, #tpu.memory_space<hbm>> -> memref<128x128xf32, #tpu.memory_space<hbm>>
    tpu.enqueue_dma source(%dma_start3A_13 : memref<128x128xf32, #tpu.memory_space<hbm>>) target(%arg7 : memref<128x128xf32, #tpu.memory_space<vmem>>) target_semaphore(%arg10 : memref<!tpu.dma_semaphore, #tpu.memory_space<semaphore_mem>>)
    %scan3A = arith.constant 0 : i32
    %scan3A_14 = arith.constant 0 : i32
    %scan3A_15 = arith.constant 40 : i32
    %scan3A_16 = arith.addi %scan3A_14, %scan3A_15 : i32
    %scan3A_17 = arith.constant 1 : i32
    scf.for %scan3A_25 = %scan3A_14 to %scan3A_16 step %scan3A_17  : i32 {
      %mul3A_26 = arith.constant 2 : i32
      %mul3A_27 = arith.muli %mul3A_26, %scan3A_25 : i32
      %add3A_28 = arith.constant 1 : i32
      %add3A_29 = arith.addi %mul3A_27, %add3A_28 : i32
      %mul3A_30 = arith.constant 80 : i32
      %mul3A_31 = arith.muli %add3A, %mul3A_30 : i32
      %add3A_32 = arith.addi %mul3A_31, %add3A_29 : i32
      %mul3A_33 = arith.constant 128 : i32
      %mul3A_34 = arith.muli %add3A_32, %mul3A_33 : i32
      %dma_start3A_35 = arith.constant 0 : i32
      %dma_start3A_36 = tpu.memref_slice %arg2[%mul3A_34, %dma_start3A_35] : memref<327680x128xf32, #tpu.memory_space<hbm>> -> memref<128x128xf32, #tpu.memory_space<hbm>>
      %dma_start3A_37 = arith.constant 0 : i32
      %dma_start3A_38 = tpu.memref_slice %arg2[%mul3A_34, %dma_start3A_37] : memref<327680x128xf32, #tpu.memory_space<hbm>> -> memref<128x128xf32, #tpu.memory_space<hbm>>
      tpu.enqueue_dma source(%dma_start3A_38 : memref<128x128xf32, #tpu.memory_space<hbm>>) target(%arg8 : memref<128x128xf32, #tpu.memory_space<vmem>>) target_semaphore(%arg11 : memref<!tpu.dma_semaphore, #tpu.memory_space<semaphore_mem>>)
      %dma_wait3A = arith.constant 0 : i32
      %dma_wait3A_39 = arith.constant 0 : i32
      %dma_wait3A_40 = tpu.memref_slice %arg2[%dma_wait3A, %dma_wait3A_39] : memref<327680x128xf32, #tpu.memory_space<hbm>> -> memref<128x128xf32, #tpu.memory_space<hbm>>
      %dma_wait3A_41 = arith.constant 0 : i32
      %dma_wait3A_42 = arith.constant 0 : i32
      %dma_wait3A_43 = tpu.memref_slice %arg2[%dma_wait3A_41, %dma_wait3A_42] : memref<327680x128xf32, #tpu.memory_space<hbm>> -> memref<128x128xf32, #tpu.memory_space<hbm>>
      tpu.wait_dma2 semaphore(%arg10 : memref<!tpu.dma_semaphore, #tpu.memory_space<semaphore_mem>>) src(%dma_wait3A_43 : memref<128x128xf32, #tpu.memory_space<hbm>>) dst(%arg7 : memref<128x128xf32, #tpu.memory_space<vmem>>)
      "tpu.region"() ({
        %run_scoped3A = tpu.sem_alloc : memref<!tpu.dma_semaphore, #tpu.memory_space<semaphore_mem>>
        %dma_start3A_56 = arith.constant 0 : i32
        %dma_start3A_57 = tpu.memref_slice %arg6[%mul3A_27, %dma_start3A_56] : memref<80x128xi32, #tpu.memory_space<vmem>> -> memref<1x128xi32, #tpu.memory_space<vmem>>
        %dma_start3A_58 = tpu.memref_squeeze %dma_start3A_57 : memref<1x128xi32, #tpu.memory_space<vmem>> -> memref<128xi32, #tpu.memory_space<vmem>>
        %dma_start3A_59 = arith.constant 0 : i32
        %dma_start3A_60 = arith.constant 0 : i32
        %dma_start3A_61 = tpu.memref_slice %arg9[%dma_start3A_59, %dma_start3A_60] : memref<10008x128xf32, #tpu.memory_space<vmem_shared>> -> memref<10008x128xf32, #tpu.memory_space<vmem_shared>>
        tpu.enqueue_indirect_dma source(%arg7 : memref<128x128xf32, #tpu.memory_space<vmem>>) target(%dma_start3A_61 : memref<10008x128xf32, #tpu.memory_space<vmem_shared>>) offsets(%dma_start3A_58 : memref<128xi32, #tpu.memory_space<vmem>>) semaphore(%run_scoped3A : memref<!tpu.dma_semaphore, #tpu.memory_space<semaphore_mem>>) {add = true}
        %dma_wait3A_62 = arith.constant 0 : i32
        %dma_wait3A_63 = tpu.memref_slice %arg6[%mul3A_27, %dma_wait3A_62] : memref<80x128xi32, #tpu.memory_space<vmem>> -> memref<1x128xi32, #tpu.memory_space<vmem>>
        %dma_wait3A_64 = tpu.memref_squeeze %dma_wait3A_63 : memref<1x128xi32, #tpu.memory_space<vmem>> -> memref<128xi32, #tpu.memory_space<vmem>>
        %dma_wait3A_65 = arith.constant 0 : i32
        %dma_wait3A_66 = arith.constant 0 : i32
        %dma_wait3A_67 = tpu.memref_slice %arg9[%dma_wait3A_65, %dma_wait3A_66] : memref<10008x128xf32, #tpu.memory_space<vmem_shared>> -> memref<10008x128xf32, #tpu.memory_space<vmem_shared>>
        tpu.wait_indirect_dma semaphore(%run_scoped3A : memref<!tpu.dma_semaphore, #tpu.memory_space<semaphore_mem>>) src(%arg7 : memref<128x128xf32, #tpu.memory_space<vmem>>) dst(%dma_wait3A_67 : memref<10008x128xf32, #tpu.memory_space<vmem_shared>>)
        tpu.yield
      }) : () -> ()
      %add3A_44 = arith.constant 1 : i32
      %add3A_45 = arith.addi %scan3A_25, %add3A_44 : i32
      %lt3A = arith.constant 40 : i32
      %lt3A_46 = arith.cmpi slt, %add3A_45, %lt3A : i32
      %convert_element_type3A_47 = arith.extui %lt3A_46 : i1 to i32
      %cond3A_48 = arith.constant 0 : i32
      %cond3A_49 = arith.cmpi ne, %convert_element_type3A_47, %cond3A_48 : i32
      scf.if %cond3A_49 {
        %add3A_56 = arith.constant 2 : i32
        %add3A_57 = arith.addi %mul3A_27, %add3A_56 : i32
        %mul3A_58 = arith.constant 80 : i32
        %mul3A_59 = arith.muli %add3A, %mul3A_58 : i32
        %add3A_60 = arith.addi %mul3A_59, %add3A_57 : i32
        %mul3A_61 = arith.constant 128 : i32
        %mul3A_62 = arith.muli %add3A_60, %mul3A_61 : i32
        %dma_start3A_63 = arith.constant 0 : i32
        %dma_start3A_64 = tpu.memref_slice %arg2[%mul3A_62, %dma_start3A_63] : memref<327680x128xf32, #tpu.memory_space<hbm>> -> memref<128x128xf32, #tpu.memory_space<hbm>>
        %dma_start3A_65 = arith.constant 0 : i32
        %dma_start3A_66 = tpu.memref_slice %arg2[%mul3A_62, %dma_start3A_65] : memref<327680x128xf32, #tpu.memory_space<hbm>> -> memref<128x128xf32, #tpu.memory_space<hbm>>
        tpu.enqueue_dma source(%dma_start3A_66 : memref<128x128xf32, #tpu.memory_space<hbm>>) target(%arg7 : memref<128x128xf32, #tpu.memory_space<vmem>>) target_semaphore(%arg10 : memref<!tpu.dma_semaphore, #tpu.memory_space<semaphore_mem>>)
      } else {
      }
      %dma_wait3A_50 = arith.constant 0 : i32
      %dma_wait3A_51 = arith.constant 0 : i32
      %dma_wait3A_52 = tpu.memref_slice %arg2[%dma_wait3A_50, %dma_wait3A_51] : memref<327680x128xf32, #tpu.memory_space<hbm>> -> memref<128x128xf32, #tpu.memory_space<hbm>>
      %dma_wait3A_53 = arith.constant 0 : i32
      %dma_wait3A_54 = arith.constant 0 : i32
      %dma_wait3A_55 = tpu.memref_slice %arg2[%dma_wait3A_53, %dma_wait3A_54] : memref<327680x128xf32, #tpu.memory_space<hbm>> -> memref<128x128xf32, #tpu.memory_space<hbm>>
      tpu.wait_dma2 semaphore(%arg11 : memref<!tpu.dma_semaphore, #tpu.memory_space<semaphore_mem>>) src(%dma_wait3A_55 : memref<128x128xf32, #tpu.memory_space<hbm>>) dst(%arg8 : memref<128x128xf32, #tpu.memory_space<vmem>>)
      "tpu.region"() ({
        %run_scoped3A = tpu.sem_alloc : memref<!tpu.dma_semaphore, #tpu.memory_space<semaphore_mem>>
        %dma_start3A_56 = arith.constant 0 : i32
        %dma_start3A_57 = tpu.memref_slice %arg6[%add3A_29, %dma_start3A_56] : memref<80x128xi32, #tpu.memory_space<vmem>> -> memref<1x128xi32, #tpu.memory_space<vmem>>
        %dma_start3A_58 = tpu.memref_squeeze %dma_start3A_57 : memref<1x128xi32, #tpu.memory_space<vmem>> -> memref<128xi32, #tpu.memory_space<vmem>>
        %dma_start3A_59 = arith.constant 0 : i32
        %dma_start3A_60 = arith.constant 0 : i32
        %dma_start3A_61 = tpu.memref_slice %arg9[%dma_start3A_59, %dma_start3A_60] : memref<10008x128xf32, #tpu.memory_space<vmem_shared>> -> memref<10008x128xf32, #tpu.memory_space<vmem_shared>>
        tpu.enqueue_indirect_dma source(%arg8 : memref<128x128xf32, #tpu.memory_space<vmem>>) target(%dma_start3A_61 : memref<10008x128xf32, #tpu.memory_space<vmem_shared>>) offsets(%dma_start3A_58 : memref<128xi32, #tpu.memory_space<vmem>>) semaphore(%run_scoped3A : memref<!tpu.dma_semaphore, #tpu.memory_space<semaphore_mem>>) {add = true}
        %dma_wait3A_62 = arith.constant 0 : i32
        %dma_wait3A_63 = tpu.memref_slice %arg6[%add3A_29, %dma_wait3A_62] : memref<80x128xi32, #tpu.memory_space<vmem>> -> memref<1x128xi32, #tpu.memory_space<vmem>>
        %dma_wait3A_64 = tpu.memref_squeeze %dma_wait3A_63 : memref<1x128xi32, #tpu.memory_space<vmem>> -> memref<128xi32, #tpu.memory_space<vmem>>
        %dma_wait3A_65 = arith.constant 0 : i32
        %dma_wait3A_66 = arith.constant 0 : i32
        %dma_wait3A_67 = tpu.memref_slice %arg9[%dma_wait3A_65, %dma_wait3A_66] : memref<10008x128xf32, #tpu.memory_space<vmem_shared>> -> memref<10008x128xf32, #tpu.memory_space<vmem_shared>>
        tpu.wait_indirect_dma semaphore(%run_scoped3A : memref<!tpu.dma_semaphore, #tpu.memory_space<semaphore_mem>>) src(%arg8 : memref<128x128xf32, #tpu.memory_space<vmem>>) dst(%dma_wait3A_67 : memref<10008x128xf32, #tpu.memory_space<vmem_shared>>)
        tpu.yield
      }) : () -> ()
    }
    %scan3A_18 = arith.constant 40 : i32
    %barrier3A_19 = arith.constant 0 : index
    tpu.barrier barrier_id(%barrier3A_19)
    %eq3A_20 = arith.constant 0 : i32
    %eq3A_21 = arith.cmpi eq, %arg1, %eq3A_20 : i32
    %convert_element_type3A_22 = arith.extui %eq3A_21 : i1 to i32
    %cond3A_23 = arith.constant 0 : i32
    %cond3A_24 = arith.cmpi ne, %convert_element_type3A_22, %cond3A_23 : i32
    scf.if %cond3A_24 {
      "tpu.region"() ({
        %run_scoped3A = tpu.sem_alloc : memref<!tpu.dma_semaphore, #tpu.memory_space<semaphore_mem>>
        %dma_start3A_25 = arith.constant 0 : i32
        %dma_start3A_26 = arith.constant 0 : i32
        %dma_start3A_27 = tpu.memref_slice %arg5[%arg0, %dma_start3A_25, %dma_start3A_26] : memref<2x10008x128xf32, #tpu.memory_space<hbm>> -> memref<1x10008x128xf32, #tpu.memory_space<hbm>>
        %dma_start3A_28 = tpu.memref_squeeze %dma_start3A_27 : memref<1x10008x128xf32, #tpu.memory_space<hbm>> -> memref<10008x128xf32, #tpu.memory_space<hbm>>
        tpu.enqueue_dma source(%arg9 : memref<10008x128xf32, #tpu.memory_space<vmem_shared>>) target(%dma_start3A_28 : memref<10008x128xf32, #tpu.memory_space<hbm>>) target_semaphore(%run_scoped3A : memref<!tpu.dma_semaphore, #tpu.memory_space<semaphore_mem>>)
        %dma_wait3A = arith.constant 0 : i32
        %dma_wait3A_29 = arith.constant 0 : i32
        %dma_wait3A_30 = tpu.memref_slice %arg5[%arg0, %dma_wait3A, %dma_wait3A_29] : memref<2x10008x128xf32, #tpu.memory_space<hbm>> -> memref<1x10008x128xf32, #tpu.memory_space<hbm>>
        %dma_wait3A_31 = tpu.memref_squeeze %dma_wait3A_30 : memref<1x10008x128xf32, #tpu.memory_space<hbm>> -> memref<10008x128xf32, #tpu.memory_space<hbm>>
        tpu.wait_dma2 semaphore(%run_scoped3A : memref<!tpu.dma_semaphore, #tpu.memory_space<semaphore_mem>>) src(%arg9 : memref<10008x128xf32, #tpu.memory_space<vmem_shared>>) dst(%dma_wait3A_31 : memref<10008x128xf32, #tpu.memory_space<hbm>>)
        tpu.yield
      }) : () -> ()
    } else {
    }
    return
  }
}

#map = affine_map<(d0, d1) -> (0, 0)>
module attributes {stable_mosaic.version = 14 : i64} {
  func.func @gather_k(%arg0: i32, %arg1: i32, %arg2: memref<10000x128xf32, #tpu.memory_space<hbm>>, %arg3: memref<2560x128xi32, #tpu.memory_space<hbm>>, %arg4: memref<2560x128xi32, #tpu.memory_space<hbm>>, %arg5: memref<327680x128xf32, #tpu.memory_space<hbm>>, %arg6: memref<327680x128xf32, #tpu.memory_space<hbm>>, %arg7: memref<80x128xi32, #tpu.memory_space<vmem>>, %arg8: memref<128x128xf32, #tpu.memory_space<vmem>>, %arg9: memref<128x128xf32, #tpu.memory_space<vmem>>, %arg10: memref<10000x128xf32, #tpu.memory_space<vmem_shared>>, %arg11: memref<!tpu.dma_semaphore, #tpu.memory_space<semaphore_mem>>, %arg12: memref<!tpu.dma_semaphore, #tpu.memory_space<semaphore_mem>>, %arg13: memref<!tpu.dma_semaphore, #tpu.memory_space<semaphore_mem>>, %arg14: memref<!tpu.dma_semaphore, #tpu.memory_space<semaphore_mem>>) attributes {dimension_semantics = [#tpu.dimension_semantics<core_parallel>, #tpu.dimension_semantics<subcore_parallel>], iteration_bounds = array<i64: 2, 16>, scalar_prefetch = 0 : i64, scratch_operands = 8 : i64, tpu.core_type = #tpu.core_type<sc_vector_subcore>, window_params = [{transform_indices = #map}, {transform_indices = #map}, {transform_indices = #map}, {transform_indices = #map}, {transform_indices = #map}]} {
    %mul3A = arith.constant 2 : i32
    %mul3A_0 = arith.muli %arg1, %mul3A : i32
    %add3A = arith.addi %mul3A_0, %arg0 : i32
    %eq3A = arith.constant 0 : i32
    %eq3A_1 = arith.cmpi eq, %arg1, %eq3A : i32
    %convert_element_type3A = arith.extui %eq3A_1 : i1 to i32
    %cond3A = arith.constant 0 : i32
    %cond3A_2 = arith.cmpi ne, %convert_element_type3A, %cond3A : i32
    scf.if %cond3A_2 {
      "tpu.region"() ({
        %run_scoped3A = tpu.sem_alloc : memref<!tpu.dma_semaphore, #tpu.memory_space<semaphore_mem>>
        tpu.enqueue_dma source(%arg2 : memref<10000x128xf32, #tpu.memory_space<hbm>>) target(%arg10 : memref<10000x128xf32, #tpu.memory_space<vmem_shared>>) target_semaphore(%run_scoped3A : memref<!tpu.dma_semaphore, #tpu.memory_space<semaphore_mem>>)
        tpu.wait_dma2 semaphore(%run_scoped3A : memref<!tpu.dma_semaphore, #tpu.memory_space<semaphore_mem>>) src(%arg2 : memref<10000x128xf32, #tpu.memory_space<hbm>>) dst(%arg10 : memref<10000x128xf32, #tpu.memory_space<vmem_shared>>)
        tpu.yield
      }) : () -> ()
    } else {
    }
    %mul3A_3 = arith.constant 80 : i32
    %mul3A_4 = arith.muli %add3A, %mul3A_3 : i32
    "tpu.region"() ({
      %run_scoped3A = tpu.sem_alloc : memref<!tpu.dma_semaphore, #tpu.memory_space<semaphore_mem>>
      %dma_start3A_31 = arith.constant 0 : i32
      %dma_start3A_32 = tpu.memref_slice %arg3[%mul3A_4, %dma_start3A_31] : memref<2560x128xi32, #tpu.memory_space<hbm>> -> memref<80x128xi32, #tpu.memory_space<hbm>>
      %dma_start3A_33 = arith.constant 0 : i32
      %dma_start3A_34 = tpu.memref_slice %arg3[%mul3A_4, %dma_start3A_33] : memref<2560x128xi32, #tpu.memory_space<hbm>> -> memref<80x128xi32, #tpu.memory_space<hbm>>
      tpu.enqueue_dma source(%dma_start3A_34 : memref<80x128xi32, #tpu.memory_space<hbm>>) target(%arg7 : memref<80x128xi32, #tpu.memory_space<vmem>>) target_semaphore(%run_scoped3A : memref<!tpu.dma_semaphore, #tpu.memory_space<semaphore_mem>>)
      %dma_wait3A = arith.constant 0 : i32
      %dma_wait3A_35 = tpu.memref_slice %arg3[%mul3A_4, %dma_wait3A] : memref<2560x128xi32, #tpu.memory_space<hbm>> -> memref<80x128xi32, #tpu.memory_space<hbm>>
      %dma_wait3A_36 = arith.constant 0 : i32
      %dma_wait3A_37 = tpu.memref_slice %arg3[%mul3A_4, %dma_wait3A_36] : memref<2560x128xi32, #tpu.memory_space<hbm>> -> memref<80x128xi32, #tpu.memory_space<hbm>>
      tpu.wait_dma2 semaphore(%run_scoped3A : memref<!tpu.dma_semaphore, #tpu.memory_space<semaphore_mem>>) src(%dma_wait3A_37 : memref<80x128xi32, #tpu.memory_space<hbm>>) dst(%arg7 : memref<80x128xi32, #tpu.memory_space<vmem>>)
      tpu.yield
    }) : () -> ()
    %barrier3A = arith.constant 0 : index
    tpu.barrier barrier_id(%barrier3A)
    %dma_start3A = arith.constant 0 : i32
    %dma_start3A_5 = arith.constant 0 : i32
    %dma_start3A_6 = tpu.memref_slice %arg7[%dma_start3A, %dma_start3A_5] : memref<80x128xi32, #tpu.memory_space<vmem>> -> memref<1x128xi32, #tpu.memory_space<vmem>>
    %dma_start3A_7 = tpu.memref_squeeze %dma_start3A_6 : memref<1x128xi32, #tpu.memory_space<vmem>> -> memref<128xi32, #tpu.memory_space<vmem>>
    %dma_start3A_8 = arith.constant 0 : i32
    %dma_start3A_9 = arith.constant 0 : i32
    %dma_start3A_10 = tpu.memref_slice %arg10[%dma_start3A_8, %dma_start3A_9] : memref<10000x128xf32, #tpu.memory_space<vmem_shared>> -> memref<10000x128xf32, #tpu.memory_space<vmem_shared>>
    tpu.enqueue_indirect_dma source(%dma_start3A_10 : memref<10000x128xf32, #tpu.memory_space<vmem_shared>>) target(%arg8 : memref<128x128xf32, #tpu.memory_space<vmem>>) offsets(%dma_start3A_7 : memref<128xi32, #tpu.memory_space<vmem>>) semaphore(%arg11 : memref<!tpu.dma_semaphore, #tpu.memory_space<semaphore_mem>>)
    %scan3A = arith.constant 0 : i32
    %scan3A_11 = arith.constant 0 : i32
    %scan3A_12 = arith.constant 40 : i32
    %scan3A_13 = arith.addi %scan3A_11, %scan3A_12 : i32
    %scan3A_14 = arith.constant 1 : i32
    scf.for %scan3A_31 = %scan3A_11 to %scan3A_13 step %scan3A_14  : i32 {
      %mul3A_32 = arith.constant 2 : i32
      %mul3A_33 = arith.muli %mul3A_32, %scan3A_31 : i32
      %add3A_34 = arith.constant 1 : i32
      %add3A_35 = arith.addi %mul3A_33, %add3A_34 : i32
      %dma_start3A_36 = arith.constant 0 : i32
      %dma_start3A_37 = tpu.memref_slice %arg7[%add3A_35, %dma_start3A_36] : memref<80x128xi32, #tpu.memory_space<vmem>> -> memref<1x128xi32, #tpu.memory_space<vmem>>
      %dma_start3A_38 = tpu.memref_squeeze %dma_start3A_37 : memref<1x128xi32, #tpu.memory_space<vmem>> -> memref<128xi32, #tpu.memory_space<vmem>>
      %dma_start3A_39 = arith.constant 0 : i32
      %dma_start3A_40 = arith.constant 0 : i32
      %dma_start3A_41 = tpu.memref_slice %arg10[%dma_start3A_39, %dma_start3A_40] : memref<10000x128xf32, #tpu.memory_space<vmem_shared>> -> memref<10000x128xf32, #tpu.memory_space<vmem_shared>>
      tpu.enqueue_indirect_dma source(%dma_start3A_41 : memref<10000x128xf32, #tpu.memory_space<vmem_shared>>) target(%arg9 : memref<128x128xf32, #tpu.memory_space<vmem>>) offsets(%dma_start3A_38 : memref<128xi32, #tpu.memory_space<vmem>>) semaphore(%arg12 : memref<!tpu.dma_semaphore, #tpu.memory_space<semaphore_mem>>)
      %dma_wait3A = arith.constant 0 : i32
      %dma_wait3A_42 = arith.constant 0 : i32
      %dma_wait3A_43 = tpu.memref_slice %arg2[%dma_wait3A, %dma_wait3A_42] : memref<10000x128xf32, #tpu.memory_space<hbm>> -> memref<128x128xf32, #tpu.memory_space<hbm>>
      %dma_wait3A_44 = arith.constant 0 : i32
      %dma_wait3A_45 = arith.constant 0 : i32
      %dma_wait3A_46 = tpu.memref_slice %arg2[%dma_wait3A_44, %dma_wait3A_45] : memref<10000x128xf32, #tpu.memory_space<hbm>> -> memref<128x128xf32, #tpu.memory_space<hbm>>
      tpu.wait_dma2 semaphore(%arg11 : memref<!tpu.dma_semaphore, #tpu.memory_space<semaphore_mem>>) src(%dma_wait3A_46 : memref<128x128xf32, #tpu.memory_space<hbm>>) dst(%arg8 : memref<128x128xf32, #tpu.memory_space<vmem>>)
      %mul3A_47 = arith.constant 80 : i32
      %mul3A_48 = arith.muli %add3A, %mul3A_47 : i32
      %add3A_49 = arith.addi %mul3A_48, %mul3A_33 : i32
      %mul3A_50 = arith.constant 128 : i32
      %mul3A_51 = arith.muli %add3A_49, %mul3A_50 : i32
      %dma_start3A_52 = arith.constant 0 : i32
      %dma_start3A_53 = tpu.memref_slice %arg5[%mul3A_51, %dma_start3A_52] : memref<327680x128xf32, #tpu.memory_space<hbm>> -> memref<128x128xf32, #tpu.memory_space<hbm>>
      %dma_start3A_54 = arith.constant 0 : i32
      %dma_start3A_55 = tpu.memref_slice %arg5[%mul3A_51, %dma_start3A_54] : memref<327680x128xf32, #tpu.memory_space<hbm>> -> memref<128x128xf32, #tpu.memory_space<hbm>>
      tpu.enqueue_dma source(%arg8 : memref<128x128xf32, #tpu.memory_space<vmem>>) target(%dma_start3A_55 : memref<128x128xf32, #tpu.memory_space<hbm>>) target_semaphore(%arg13 : memref<!tpu.dma_semaphore, #tpu.memory_space<semaphore_mem>>)
      %dma_wait3A_56 = arith.constant 0 : i32
      %dma_wait3A_57 = arith.constant 0 : i32
      %dma_wait3A_58 = tpu.memref_slice %arg2[%dma_wait3A_56, %dma_wait3A_57] : memref<10000x128xf32, #tpu.memory_space<hbm>> -> memref<128x128xf32, #tpu.memory_space<hbm>>
      %dma_wait3A_59 = arith.constant 0 : i32
      %dma_wait3A_60 = arith.constant 0 : i32
      %dma_wait3A_61 = tpu.memref_slice %arg2[%dma_wait3A_59, %dma_wait3A_60] : memref<10000x128xf32, #tpu.memory_space<hbm>> -> memref<128x128xf32, #tpu.memory_space<hbm>>
      tpu.wait_dma2 semaphore(%arg12 : memref<!tpu.dma_semaphore, #tpu.memory_space<semaphore_mem>>) src(%dma_wait3A_61 : memref<128x128xf32, #tpu.memory_space<hbm>>) dst(%arg9 : memref<128x128xf32, #tpu.memory_space<vmem>>)
      %mul3A_62 = arith.constant 80 : i32
      %mul3A_63 = arith.muli %add3A, %mul3A_62 : i32
      %add3A_64 = arith.addi %mul3A_63, %add3A_35 : i32
      %mul3A_65 = arith.constant 128 : i32
      %mul3A_66 = arith.muli %add3A_64, %mul3A_65 : i32
      %dma_start3A_67 = arith.constant 0 : i32
      %dma_start3A_68 = tpu.memref_slice %arg5[%mul3A_66, %dma_start3A_67] : memref<327680x128xf32, #tpu.memory_space<hbm>> -> memref<128x128xf32, #tpu.memory_space<hbm>>
      %dma_start3A_69 = arith.constant 0 : i32
      %dma_start3A_70 = tpu.memref_slice %arg5[%mul3A_66, %dma_start3A_69] : memref<327680x128xf32, #tpu.memory_space<hbm>> -> memref<128x128xf32, #tpu.memory_space<hbm>>
      tpu.enqueue_dma source(%arg9 : memref<128x128xf32, #tpu.memory_space<vmem>>) target(%dma_start3A_70 : memref<128x128xf32, #tpu.memory_space<hbm>>) target_semaphore(%arg14 : memref<!tpu.dma_semaphore, #tpu.memory_space<semaphore_mem>>)
      %dma_wait3A_71 = arith.constant 0 : i32
      %dma_wait3A_72 = arith.constant 0 : i32
      %dma_wait3A_73 = tpu.memref_slice %arg5[%dma_wait3A_71, %dma_wait3A_72] : memref<327680x128xf32, #tpu.memory_space<hbm>> -> memref<128x128xf32, #tpu.memory_space<hbm>>
      %dma_wait3A_74 = arith.constant 0 : i32
      %dma_wait3A_75 = arith.constant 0 : i32
      %dma_wait3A_76 = tpu.memref_slice %arg5[%dma_wait3A_74, %dma_wait3A_75] : memref<327680x128xf32, #tpu.memory_space<hbm>> -> memref<128x128xf32, #tpu.memory_space<hbm>>
      tpu.wait_dma2 semaphore(%arg13 : memref<!tpu.dma_semaphore, #tpu.memory_space<semaphore_mem>>) src(%arg8 : memref<128x128xf32, #tpu.memory_space<vmem>>) dst(%dma_wait3A_76 : memref<128x128xf32, #tpu.memory_space<hbm>>)
      %add3A_77 = arith.constant 1 : i32
      %add3A_78 = arith.addi %scan3A_31, %add3A_77 : i32
      %lt3A = arith.constant 40 : i32
      %lt3A_79 = arith.cmpi slt, %add3A_78, %lt3A : i32
      %convert_element_type3A_80 = arith.extui %lt3A_79 : i1 to i32
      %cond3A_81 = arith.constant 0 : i32
      %cond3A_82 = arith.cmpi ne, %convert_element_type3A_80, %cond3A_81 : i32
      scf.if %cond3A_82 {
        %add3A_89 = arith.constant 2 : i32
        %add3A_90 = arith.addi %mul3A_33, %add3A_89 : i32
        %dma_start3A_91 = arith.constant 0 : i32
        %dma_start3A_92 = tpu.memref_slice %arg7[%add3A_90, %dma_start3A_91] : memref<80x128xi32, #tpu.memory_space<vmem>> -> memref<1x128xi32, #tpu.memory_space<vmem>>
        %dma_start3A_93 = tpu.memref_squeeze %dma_start3A_92 : memref<1x128xi32, #tpu.memory_space<vmem>> -> memref<128xi32, #tpu.memory_space<vmem>>
        %dma_start3A_94 = arith.constant 0 : i32
        %dma_start3A_95 = arith.constant 0 : i32
        %dma_start3A_96 = tpu.memref_slice %arg10[%dma_start3A_94, %dma_start3A_95] : memref<10000x128xf32, #tpu.memory_space<vmem_shared>> -> memref<10000x128xf32, #tpu.memory_space<vmem_shared>>
        tpu.enqueue_indirect_dma source(%dma_start3A_96 : memref<10000x128xf32, #tpu.memory_space<vmem_shared>>) target(%arg8 : memref<128x128xf32, #tpu.memory_space<vmem>>) offsets(%dma_start3A_93 : memref<128xi32, #tpu.memory_space<vmem>>) semaphore(%arg11 : memref<!tpu.dma_semaphore, #tpu.memory_space<semaphore_mem>>)
      } else {
      }
      %dma_wait3A_83 = arith.constant 0 : i32
      %dma_wait3A_84 = arith.constant 0 : i32
      %dma_wait3A_85 = tpu.memref_slice %arg5[%dma_wait3A_83, %dma_wait3A_84] : memref<327680x128xf32, #tpu.memory_space<hbm>> -> memref<128x128xf32, #tpu.memory_space<hbm>>
      %dma_wait3A_86 = arith.constant 0 : i32
      %dma_wait3A_87 = arith.constant 0 : i32
      %dma_wait3A_88 = tpu.memref_slice %arg5[%dma_wait3A_86, %dma_wait3A_87] : memref<327680x128xf32, #tpu.memory_space<hbm>> -> memref<128x128xf32, #tpu.memory_space<hbm>>
      tpu.wait_dma2 semaphore(%arg14 : memref<!tpu.dma_semaphore, #tpu.memory_space<semaphore_mem>>) src(%arg9 : memref<128x128xf32, #tpu.memory_space<vmem>>) dst(%dma_wait3A_88 : memref<128x128xf32, #tpu.memory_space<hbm>>)
    }
    %scan3A_15 = arith.constant 40 : i32
    %mul3A_16 = arith.constant 80 : i32
    %mul3A_17 = arith.muli %add3A, %mul3A_16 : i32
    "tpu.region"() ({
      %run_scoped3A = tpu.sem_alloc : memref<!tpu.dma_semaphore, #tpu.memory_space<semaphore_mem>>
      %dma_start3A_31 = arith.constant 0 : i32
      %dma_start3A_32 = tpu.memref_slice %arg4[%mul3A_17, %dma_start3A_31] : memref<2560x128xi32, #tpu.memory_space<hbm>> -> memref<80x128xi32, #tpu.memory_space<hbm>>
      %dma_start3A_33 = arith.constant 0 : i32
      %dma_start3A_34 = tpu.memref_slice %arg4[%mul3A_17, %dma_start3A_33] : memref<2560x128xi32, #tpu.memory_space<hbm>> -> memref<80x128xi32, #tpu.memory_space<hbm>>
      tpu.enqueue_dma source(%dma_start3A_34 : memref<80x128xi32, #tpu.memory_space<hbm>>) target(%arg7 : memref<80x128xi32, #tpu.memory_space<vmem>>) target_semaphore(%run_scoped3A : memref<!tpu.dma_semaphore, #tpu.memory_space<semaphore_mem>>)
      %dma_wait3A = arith.constant 0 : i32
      %dma_wait3A_35 = tpu.memref_slice %arg4[%mul3A_17, %dma_wait3A] : memref<2560x128xi32, #tpu.memory_space<hbm>> -> memref<80x128xi32, #tpu.memory_space<hbm>>
      %dma_wait3A_36 = arith.constant 0 : i32
      %dma_wait3A_37 = tpu.memref_slice %arg4[%mul3A_17, %dma_wait3A_36] : memref<2560x128xi32, #tpu.memory_space<hbm>> -> memref<80x128xi32, #tpu.memory_space<hbm>>
      tpu.wait_dma2 semaphore(%run_scoped3A : memref<!tpu.dma_semaphore, #tpu.memory_space<semaphore_mem>>) src(%dma_wait3A_37 : memref<80x128xi32, #tpu.memory_space<hbm>>) dst(%arg7 : memref<80x128xi32, #tpu.memory_space<vmem>>)
      tpu.yield
    }) : () -> ()
    %dma_start3A_18 = arith.constant 0 : i32
    %dma_start3A_19 = arith.constant 0 : i32
    %dma_start3A_20 = tpu.memref_slice %arg7[%dma_start3A_18, %dma_start3A_19] : memref<80x128xi32, #tpu.memory_space<vmem>> -> memref<1x128xi32, #tpu.memory_space<vmem>>
    %dma_start3A_21 = tpu.memref_squeeze %dma_start3A_20 : memref<1x128xi32, #tpu.memory_space<vmem>> -> memref<128xi32, #tpu.memory_space<vmem>>
    %dma_start3A_22 = arith.constant 0 : i32
    %dma_start3A_23 = arith.constant 0 : i32
    %dma_start3A_24 = tpu.memref_slice %arg10[%dma_start3A_22, %dma_start3A_23] : memref<10000x128xf32, #tpu.memory_space<vmem_shared>> -> memref<10000x128xf32, #tpu.memory_space<vmem_shared>>
    tpu.enqueue_indirect_dma source(%dma_start3A_24 : memref<10000x128xf32, #tpu.memory_space<vmem_shared>>) target(%arg8 : memref<128x128xf32, #tpu.memory_space<vmem>>) offsets(%dma_start3A_21 : memref<128xi32, #tpu.memory_space<vmem>>) semaphore(%arg11 : memref<!tpu.dma_semaphore, #tpu.memory_space<semaphore_mem>>)
    %scan3A_25 = arith.constant 0 : i32
    %scan3A_26 = arith.constant 0 : i32
    %scan3A_27 = arith.constant 40 : i32
    %scan3A_28 = arith.addi %scan3A_26, %scan3A_27 : i32
    %scan3A_29 = arith.constant 1 : i32
    scf.for %scan3A_31 = %scan3A_26 to %scan3A_28 step %scan3A_29  : i32 {
      %mul3A_32 = arith.constant 2 : i32
      %mul3A_33 = arith.muli %mul3A_32, %scan3A_31 : i32
      %add3A_34 = arith.constant 1 : i32
      %add3A_35 = arith.addi %mul3A_33, %add3A_34 : i32
      %dma_start3A_36 = arith.constant 0 : i32
      %dma_start3A_37 = tpu.memref_slice %arg7[%add3A_35, %dma_start3A_36] : memref<80x128xi32, #tpu.memory_space<vmem>> -> memref<1x128xi32, #tpu.memory_space<vmem>>
      %dma_start3A_38 = tpu.memref_squeeze %dma_start3A_37 : memref<1x128xi32, #tpu.memory_space<vmem>> -> memref<128xi32, #tpu.memory_space<vmem>>
      %dma_start3A_39 = arith.constant 0 : i32
      %dma_start3A_40 = arith.constant 0 : i32
      %dma_start3A_41 = tpu.memref_slice %arg10[%dma_start3A_39, %dma_start3A_40] : memref<10000x128xf32, #tpu.memory_space<vmem_shared>> -> memref<10000x128xf32, #tpu.memory_space<vmem_shared>>
      tpu.enqueue_indirect_dma source(%dma_start3A_41 : memref<10000x128xf32, #tpu.memory_space<vmem_shared>>) target(%arg9 : memref<128x128xf32, #tpu.memory_space<vmem>>) offsets(%dma_start3A_38 : memref<128xi32, #tpu.memory_space<vmem>>) semaphore(%arg12 : memref<!tpu.dma_semaphore, #tpu.memory_space<semaphore_mem>>)
      %dma_wait3A = arith.constant 0 : i32
      %dma_wait3A_42 = arith.constant 0 : i32
      %dma_wait3A_43 = tpu.memref_slice %arg2[%dma_wait3A, %dma_wait3A_42] : memref<10000x128xf32, #tpu.memory_space<hbm>> -> memref<128x128xf32, #tpu.memory_space<hbm>>
      %dma_wait3A_44 = arith.constant 0 : i32
      %dma_wait3A_45 = arith.constant 0 : i32
      %dma_wait3A_46 = tpu.memref_slice %arg2[%dma_wait3A_44, %dma_wait3A_45] : memref<10000x128xf32, #tpu.memory_space<hbm>> -> memref<128x128xf32, #tpu.memory_space<hbm>>
      tpu.wait_dma2 semaphore(%arg11 : memref<!tpu.dma_semaphore, #tpu.memory_space<semaphore_mem>>) src(%dma_wait3A_46 : memref<128x128xf32, #tpu.memory_space<hbm>>) dst(%arg8 : memref<128x128xf32, #tpu.memory_space<vmem>>)
      %mul3A_47 = arith.constant 80 : i32
      %mul3A_48 = arith.muli %add3A, %mul3A_47 : i32
      %add3A_49 = arith.addi %mul3A_48, %mul3A_33 : i32
      %mul3A_50 = arith.constant 128 : i32
      %mul3A_51 = arith.muli %add3A_49, %mul3A_50 : i32
      %dma_start3A_52 = arith.constant 0 : i32
      %dma_start3A_53 = tpu.memref_slice %arg6[%mul3A_51, %dma_start3A_52] : memref<327680x128xf32, #tpu.memory_space<hbm>> -> memref<128x128xf32, #tpu.memory_space<hbm>>
      %dma_start3A_54 = arith.constant 0 : i32
      %dma_start3A_55 = tpu.memref_slice %arg6[%mul3A_51, %dma_start3A_54] : memref<327680x128xf32, #tpu.memory_space<hbm>> -> memref<128x128xf32, #tpu.memory_space<hbm>>
      tpu.enqueue_dma source(%arg8 : memref<128x128xf32, #tpu.memory_space<vmem>>) target(%dma_start3A_55 : memref<128x128xf32, #tpu.memory_space<hbm>>) target_semaphore(%arg13 : memref<!tpu.dma_semaphore, #tpu.memory_space<semaphore_mem>>)
      %dma_wait3A_56 = arith.constant 0 : i32
      %dma_wait3A_57 = arith.constant 0 : i32
      %dma_wait3A_58 = tpu.memref_slice %arg2[%dma_wait3A_56, %dma_wait3A_57] : memref<10000x128xf32, #tpu.memory_space<hbm>> -> memref<128x128xf32, #tpu.memory_space<hbm>>
      %dma_wait3A_59 = arith.constant 0 : i32
      %dma_wait3A_60 = arith.constant 0 : i32
      %dma_wait3A_61 = tpu.memref_slice %arg2[%dma_wait3A_59, %dma_wait3A_60] : memref<10000x128xf32, #tpu.memory_space<hbm>> -> memref<128x128xf32, #tpu.memory_space<hbm>>
      tpu.wait_dma2 semaphore(%arg12 : memref<!tpu.dma_semaphore, #tpu.memory_space<semaphore_mem>>) src(%dma_wait3A_61 : memref<128x128xf32, #tpu.memory_space<hbm>>) dst(%arg9 : memref<128x128xf32, #tpu.memory_space<vmem>>)
      %mul3A_62 = arith.constant 80 : i32
      %mul3A_63 = arith.muli %add3A, %mul3A_62 : i32
      %add3A_64 = arith.addi %mul3A_63, %add3A_35 : i32
      %mul3A_65 = arith.constant 128 : i32
      %mul3A_66 = arith.muli %add3A_64, %mul3A_65 : i32
      %dma_start3A_67 = arith.constant 0 : i32
      %dma_start3A_68 = tpu.memref_slice %arg6[%mul3A_66, %dma_start3A_67] : memref<327680x128xf32, #tpu.memory_space<hbm>> -> memref<128x128xf32, #tpu.memory_space<hbm>>
      %dma_start3A_69 = arith.constant 0 : i32
      %dma_start3A_70 = tpu.memref_slice %arg6[%mul3A_66, %dma_start3A_69] : memref<327680x128xf32, #tpu.memory_space<hbm>> -> memref<128x128xf32, #tpu.memory_space<hbm>>
      tpu.enqueue_dma source(%arg9 : memref<128x128xf32, #tpu.memory_space<vmem>>) target(%dma_start3A_70 : memref<128x128xf32, #tpu.memory_space<hbm>>) target_semaphore(%arg14 : memref<!tpu.dma_semaphore, #tpu.memory_space<semaphore_mem>>)
      %dma_wait3A_71 = arith.constant 0 : i32
      %dma_wait3A_72 = arith.constant 0 : i32
      %dma_wait3A_73 = tpu.memref_slice %arg6[%dma_wait3A_71, %dma_wait3A_72] : memref<327680x128xf32, #tpu.memory_space<hbm>> -> memref<128x128xf32, #tpu.memory_space<hbm>>
      %dma_wait3A_74 = arith.constant 0 : i32
      %dma_wait3A_75 = arith.constant 0 : i32
      %dma_wait3A_76 = tpu.memref_slice %arg6[%dma_wait3A_74, %dma_wait3A_75] : memref<327680x128xf32, #tpu.memory_space<hbm>> -> memref<128x128xf32, #tpu.memory_space<hbm>>
      tpu.wait_dma2 semaphore(%arg13 : memref<!tpu.dma_semaphore, #tpu.memory_space<semaphore_mem>>) src(%arg8 : memref<128x128xf32, #tpu.memory_space<vmem>>) dst(%dma_wait3A_76 : memref<128x128xf32, #tpu.memory_space<hbm>>)
      %add3A_77 = arith.constant 1 : i32
      %add3A_78 = arith.addi %scan3A_31, %add3A_77 : i32
      %lt3A = arith.constant 40 : i32
      %lt3A_79 = arith.cmpi slt, %add3A_78, %lt3A : i32
      %convert_element_type3A_80 = arith.extui %lt3A_79 : i1 to i32
      %cond3A_81 = arith.constant 0 : i32
      %cond3A_82 = arith.cmpi ne, %convert_element_type3A_80, %cond3A_81 : i32
      scf.if %cond3A_82 {
        %add3A_89 = arith.constant 2 : i32
        %add3A_90 = arith.addi %mul3A_33, %add3A_89 : i32
        %dma_start3A_91 = arith.constant 0 : i32
        %dma_start3A_92 = tpu.memref_slice %arg7[%add3A_90, %dma_start3A_91] : memref<80x128xi32, #tpu.memory_space<vmem>> -> memref<1x128xi32, #tpu.memory_space<vmem>>
        %dma_start3A_93 = tpu.memref_squeeze %dma_start3A_92 : memref<1x128xi32, #tpu.memory_space<vmem>> -> memref<128xi32, #tpu.memory_space<vmem>>
        %dma_start3A_94 = arith.constant 0 : i32
        %dma_start3A_95 = arith.constant 0 : i32
        %dma_start3A_96 = tpu.memref_slice %arg10[%dma_start3A_94, %dma_start3A_95] : memref<10000x128xf32, #tpu.memory_space<vmem_shared>> -> memref<10000x128xf32, #tpu.memory_space<vmem_shared>>
        tpu.enqueue_indirect_dma source(%dma_start3A_96 : memref<10000x128xf32, #tpu.memory_space<vmem_shared>>) target(%arg8 : memref<128x128xf32, #tpu.memory_space<vmem>>) offsets(%dma_start3A_93 : memref<128xi32, #tpu.memory_space<vmem>>) semaphore(%arg11 : memref<!tpu.dma_semaphore, #tpu.memory_space<semaphore_mem>>)
      } else {
      }
      %dma_wait3A_83 = arith.constant 0 : i32
      %dma_wait3A_84 = arith.constant 0 : i32
      %dma_wait3A_85 = tpu.memref_slice %arg6[%dma_wait3A_83, %dma_wait3A_84] : memref<327680x128xf32, #tpu.memory_space<hbm>> -> memref<128x128xf32, #tpu.memory_space<hbm>>
      %dma_wait3A_86 = arith.constant 0 : i32
      %dma_wait3A_87 = arith.constant 0 : i32
      %dma_wait3A_88 = tpu.memref_slice %arg6[%dma_wait3A_86, %dma_wait3A_87] : memref<327680x128xf32, #tpu.memory_space<hbm>> -> memref<128x128xf32, #tpu.memory_space<hbm>>
      tpu.wait_dma2 semaphore(%arg14 : memref<!tpu.dma_semaphore, #tpu.memory_space<semaphore_mem>>) src(%arg9 : memref<128x128xf32, #tpu.memory_space<vmem>>) dst(%dma_wait3A_88 : memref<128x128xf32, #tpu.memory_space<hbm>>)
    }
    %scan3A_30 = arith.constant 40 : i32
    return
  }
}

module attributes {stable_mosaic.version = 14 : i64} {
  func.func @_edge_body(%arg0: i32, %arg1: memref<2000x128xf32, #tpu.memory_space<vmem>>, %arg2: memref<2000x128xf32, #tpu.memory_space<vmem>>, %arg3: memref<2000x16xf32, #tpu.memory_space<vmem>>, %arg4: memref<256x16xbf16, #tpu.memory_space<vmem>>, %arg5: memref<16x16xf32, #tpu.memory_space<vmem>>, %arg6: memref<16x16xf32, #tpu.memory_space<vmem>>, %arg7: memref<256x128xbf16, #tpu.memory_space<vmem>>, %arg8: memref<16x128xf32, #tpu.memory_space<vmem>>, %arg9: memref<1x16xf32, #tpu.memory_space<vmem>>, %arg10: memref<1x16xf32, #tpu.memory_space<vmem>>, %arg11: memref<1x128xf32, #tpu.memory_space<vmem>>, %arg12: memref<1x16xf32, #tpu.memory_space<vmem>>, %arg13: memref<1x16xf32, #tpu.memory_space<vmem>>, %arg14: memref<2000x128xf32, #tpu.memory_space<vmem>>, %arg15: memref<2000x16xf32, #tpu.memory_space<vmem>>) attributes {dimension_semantics = [#tpu.dimension_semantics<arbitrary>], iteration_bounds = array<i64: 160>, scalar_prefetch = 0 : i64, scratch_operands = 0 : i64, tpu.core_type = #tpu.core_type<tc>, window_params = [{transform_indices = @transform_0, window_bounds = array<i64: 2000, 128>}, {transform_indices = @transform_1, window_bounds = array<i64: 2000, 128>}, {transform_indices = @transform_2, window_bounds = array<i64: 2000, 16>}, {pipeline_mode = #tpu.pipeline_mode<synchronous>, transform_indices = @transform_3, window_bounds = array<i64: 256, 16>}, {pipeline_mode = #tpu.pipeline_mode<synchronous>, transform_indices = @transform_4, window_bounds = array<i64: 16, 16>}, {pipeline_mode = #tpu.pipeline_mode<synchronous>, transform_indices = @transform_5, window_bounds = array<i64: 16, 16>}, {pipeline_mode = #tpu.pipeline_mode<synchronous>, transform_indices = @transform_6, window_bounds = array<i64: 256, 128>}, {pipeline_mode = #tpu.pipeline_mode<synchronous>, transform_indices = @transform_7, window_bounds = array<i64: 16, 128>}, {pipeline_mode = #tpu.pipeline_mode<synchronous>, transform_indices = @transform_8, window_bounds = array<i64: 1, 16>}, {pipeline_mode = #tpu.pipeline_mode<synchronous>, transform_indices = @transform_9, window_bounds = array<i64: 1, 16>}, {pipeline_mode = #tpu.pipeline_mode<synchronous>, transform_indices = @transform_10, window_bounds = array<i64: 1, 128>}, {pipeline_mode = #tpu.pipeline_mode<synchronous>, transform_indices = @transform_11, window_bounds = array<i64: 1, 16>}, {pipeline_mode = #tpu.pipeline_mode<synchronous>, transform_indices = @transform_12, window_bounds = array<i64: 1, 16>}, {transform_indices = @transform_13, window_bounds = array<i64: 2000, 128>}, {transform_indices = @transform_14, window_bounds = array<i64: 2000, 16>}]} {
    %get3A = arith.constant 0 : index
    %get3A_0 = arith.constant 0 : index
    %get3A_1 = vector.load %arg1[%get3A, %get3A_0] : memref<2000x128xf32, #tpu.memory_space<vmem>>, vector<2000x128xf32>
    %get3A_2 = arith.constant 0 : index
    %get3A_3 = arith.constant 0 : index
    %get3A_4 = vector.load %arg2[%get3A_2, %get3A_3] : memref<2000x128xf32, #tpu.memory_space<vmem>>, vector<2000x128xf32>
    %concatenate3A = tpu.concatenate %get3A_1, %get3A_4 in 1 : vector<2000x128xf32>, vector<2000x128xf32> -> vector<2000x256xf32>
    %convert_element_type3A = arith.truncf %concatenate3A : vector<2000x256xf32> to vector<2000x256xbf16>
    %get3A_5 = arith.constant 0 : index
    %get3A_6 = arith.constant 0 : index
    %get3A_7 = vector.load %arg3[%get3A_5, %get3A_6] : memref<2000x16xf32, #tpu.memory_space<vmem>>, vector<2000x16xf32>
    %get3A_8 = arith.constant 0 : index
    %get3A_9 = arith.constant 0 : index
    %get3A_10 = vector.load %arg4[%get3A_8, %get3A_9] : memref<256x16xbf16, #tpu.memory_space<vmem>>, vector<256x16xbf16>
    %dot_general3A = arith.constant dense<0.000000e+00> : vector<2000x16xf32>
    %dot_general3A_11 = tpu.matmul %convert_element_type3A, %get3A_10, %dot_general3A {dimension_numbers = #tpu.dot_dimension_numbers<[1], [0], [0], [1], [0, 0, 1, 1], [], []>, transpose_lhs_hint = false} : vector<2000x256xbf16>, vector<256x16xbf16>, vector<2000x16xf32> -> vector<2000x16xf32>
    %get3A_12 = arith.constant 0 : index
    %get3A_13 = arith.constant 0 : index
    %get3A_14 = vector.load %arg5[%get3A_12, %get3A_13] : memref<16x16xf32, #tpu.memory_space<vmem>>, vector<16x16xf32>
    %dot_general3A_15 = arith.constant dense<0.000000e+00> : vector<2000x16xf32>
    %dot_general3A_16 = tpu.matmul %get3A_7, %get3A_14, %dot_general3A_15 {dimension_numbers = #tpu.dot_dimension_numbers<[1], [0], [0], [1], [0, 0, 1, 1], [], []>, transpose_lhs_hint = false} : vector<2000x16xf32>, vector<16x16xf32>, vector<2000x16xf32> -> vector<2000x16xf32>
    %add3A = arith.addf %dot_general3A_11, %dot_general3A_16 : vector<2000x16xf32>
    %get3A_17 = arith.constant 0 : index
    %get3A_18 = arith.constant 0 : index
    %get3A_19 = vector.load %arg9[%get3A_17, %get3A_18] : memref<1x16xf32, #tpu.memory_space<vmem>>, vector<1x16xf32>
    %add3A_20 = vector.broadcast %get3A_19 : vector<1x16xf32> to vector<2000x16xf32>
    %add3A_21 = arith.addf %add3A, %add3A_20 : vector<2000x16xf32>
    %mul3A = arith.constant 5.000000e-01 : f32
    %mul3A_22 = vector.broadcast %mul3A : f32 to vector<2000x16xf32>
    %mul3A_23 = arith.mulf %mul3A_22, %add3A_21 : vector<2000x16xf32>
    %mul3A_24 = arith.constant 0.707106769 : f32
    %mul3A_25 = vector.broadcast %mul3A_24 : f32 to vector<2000x16xf32>
    %mul3A_26 = arith.mulf %add3A_21, %mul3A_25 : vector<2000x16xf32>
    %erf3A = math.erf %mul3A_26 : vector<2000x16xf32>
    %add3A_27 = arith.constant 1.000000e+00 : f32
    %add3A_28 = vector.broadcast %add3A_27 : f32 to vector<2000x16xf32>
    %add3A_29 = arith.addf %add3A_28, %erf3A : vector<2000x16xf32>
    %mul3A_30 = arith.mulf %mul3A_23, %add3A_29 : vector<2000x16xf32>
    %get3A_31 = arith.constant 0 : index
    %get3A_32 = arith.constant 0 : index
    %get3A_33 = vector.load %arg6[%get3A_31, %get3A_32] : memref<16x16xf32, #tpu.memory_space<vmem>>, vector<16x16xf32>
    %dot_general3A_34 = arith.constant dense<0.000000e+00> : vector<2000x16xf32>
    %dot_general3A_35 = tpu.matmul %mul3A_30, %get3A_33, %dot_general3A_34 {dimension_numbers = #tpu.dot_dimension_numbers<[1], [0], [0], [1], [0, 0, 1, 1], [], []>, transpose_lhs_hint = false} : vector<2000x16xf32>, vector<16x16xf32>, vector<2000x16xf32> -> vector<2000x16xf32>
    %get3A_36 = arith.constant 0 : index
    %get3A_37 = arith.constant 0 : index
    %get3A_38 = vector.load %arg10[%get3A_36, %get3A_37] : memref<1x16xf32, #tpu.memory_space<vmem>>, vector<1x16xf32>
    %add3A_39 = vector.broadcast %get3A_38 : vector<1x16xf32> to vector<2000x16xf32>
    %add3A_40 = arith.addf %dot_general3A_35, %add3A_39 : vector<2000x16xf32>
    %add3A_41 = arith.addf %get3A_7, %add3A_40 : vector<2000x16xf32>
    %get3A_42 = arith.constant 0 : index
    %get3A_43 = arith.constant 0 : index
    %get3A_44 = vector.load %arg12[%get3A_42, %get3A_43] : memref<1x16xf32, #tpu.memory_space<vmem>>, vector<1x16xf32>
    %get3A_45 = arith.constant 0 : index
    %get3A_46 = arith.constant 0 : index
    %get3A_47 = vector.load %arg13[%get3A_45, %get3A_46] : memref<1x16xf32, #tpu.memory_space<vmem>>, vector<1x16xf32>
    %reduce_sum3A = arith.constant dense<0.000000e+00> : vector<2000xf32>
    %reduce_sum3A_48 = vector.multi_reduction <add>, %add3A_41, %reduce_sum3A [1] : vector<2000x16xf32> to vector<2000xf32>
    %broadcast_in_dim3A = vector.shape_cast %reduce_sum3A_48 : vector<2000xf32> to vector<2000x1xf32>
    %div3A = arith.constant 1.600000e+01 : f32
    %div3A_49 = vector.broadcast %div3A : f32 to vector<2000x1xf32>
    %div3A_50 = arith.divf %broadcast_in_dim3A, %div3A_49 : vector<2000x1xf32>
    %sub3A = vector.broadcast %div3A_50 : vector<2000x1xf32> to vector<2000x16xf32>
    %sub3A_51 = arith.subf %add3A_41, %sub3A : vector<2000x16xf32>
    %integer_pow3A = arith.mulf %sub3A_51, %sub3A_51 : vector<2000x16xf32>
    %reduce_sum3A_52 = arith.constant dense<0.000000e+00> : vector<2000xf32>
    %reduce_sum3A_53 = vector.multi_reduction <add>, %integer_pow3A, %reduce_sum3A_52 [1] : vector<2000x16xf32> to vector<2000xf32>
    %broadcast_in_dim3A_54 = vector.shape_cast %reduce_sum3A_53 : vector<2000xf32> to vector<2000x1xf32>
    %div3A_55 = arith.constant 1.600000e+01 : f32
    %div3A_56 = vector.broadcast %div3A_55 : f32 to vector<2000x1xf32>
    %div3A_57 = arith.divf %broadcast_in_dim3A_54, %div3A_56 : vector<2000x1xf32>
    %sub3A_58 = vector.broadcast %div3A_50 : vector<2000x1xf32> to vector<2000x16xf32>
    %sub3A_59 = arith.subf %add3A_41, %sub3A_58 : vector<2000x16xf32>
    %add3A_60 = arith.constant 9.99999974E-6 : f32
    %add3A_61 = vector.broadcast %add3A_60 : f32 to vector<2000x1xf32>
    %add3A_62 = arith.addf %div3A_57, %add3A_61 : vector<2000x1xf32>
    %rsqrt3A = math.rsqrt %add3A_62 : vector<2000x1xf32>
    %mul3A_63 = vector.broadcast %rsqrt3A : vector<2000x1xf32> to vector<2000x16xf32>
    %mul3A_64 = arith.mulf %sub3A_59, %mul3A_63 : vector<2000x16xf32>
    %mul3A_65 = vector.broadcast %get3A_44 : vector<1x16xf32> to vector<2000x16xf32>
    %mul3A_66 = arith.mulf %mul3A_64, %mul3A_65 : vector<2000x16xf32>
    %add3A_67 = vector.broadcast %get3A_47 : vector<1x16xf32> to vector<2000x16xf32>
    %add3A_68 = arith.addf %mul3A_66, %add3A_67 : vector<2000x16xf32>
    %get3A_69 = arith.constant 0 : index
    %get3A_70 = arith.constant 0 : index
    %get3A_71 = vector.load %arg7[%get3A_69, %get3A_70] : memref<256x128xbf16, #tpu.memory_space<vmem>>, vector<256x128xbf16>
    %dot_general3A_72 = arith.constant dense<0.000000e+00> : vector<2000x128xf32>
    %dot_general3A_73 = tpu.matmul %convert_element_type3A, %get3A_71, %dot_general3A_72 {dimension_numbers = #tpu.dot_dimension_numbers<[1], [0], [0], [1], [0, 0, 1, 1], [], []>, transpose_lhs_hint = false} : vector<2000x256xbf16>, vector<256x128xbf16>, vector<2000x128xf32> -> vector<2000x128xf32>
    %get3A_74 = arith.constant 0 : index
    %get3A_75 = arith.constant 0 : index
    %get3A_76 = vector.load %arg8[%get3A_74, %get3A_75] : memref<16x128xf32, #tpu.memory_space<vmem>>, vector<16x128xf32>
    %dot_general3A_77 = arith.constant dense<0.000000e+00> : vector<2000x128xf32>
    %dot_general3A_78 = tpu.matmul %add3A_68, %get3A_76, %dot_general3A_77 {dimension_numbers = #tpu.dot_dimension_numbers<[1], [0], [0], [1], [0, 0, 1, 1], [], []>, transpose_lhs_hint = false} : vector<2000x16xf32>, vector<16x128xf32>, vector<2000x128xf32> -> vector<2000x128xf32>
    %add3A_79 = arith.addf %dot_general3A_73, %dot_general3A_78 : vector<2000x128xf32>
    %get3A_80 = arith.constant 0 : index
    %get3A_81 = arith.constant 0 : index
    %get3A_82 = vector.load %arg11[%get3A_80, %get3A_81] : memref<1x128xf32, #tpu.memory_space<vmem>>, vector<1x128xf32>
    %add3A_83 = vector.broadcast %get3A_82 : vector<1x128xf32> to vector<2000x128xf32>
    %add3A_84 = arith.addf %add3A_79, %add3A_83 : vector<2000x128xf32>
    %mul3A_85 = arith.constant 5.000000e-01 : f32
    %mul3A_86 = vector.broadcast %mul3A_85 : f32 to vector<2000x128xf32>
    %mul3A_87 = arith.mulf %mul3A_86, %add3A_84 : vector<2000x128xf32>
    %mul3A_88 = arith.constant 0.707106769 : f32
    %mul3A_89 = vector.broadcast %mul3A_88 : f32 to vector<2000x128xf32>
    %mul3A_90 = arith.mulf %add3A_84, %mul3A_89 : vector<2000x128xf32>
    %erf3A_91 = math.erf %mul3A_90 : vector<2000x128xf32>
    %add3A_92 = arith.constant 1.000000e+00 : f32
    %add3A_93 = vector.broadcast %add3A_92 : f32 to vector<2000x128xf32>
    %add3A_94 = arith.addf %add3A_93, %erf3A_91 : vector<2000x128xf32>
    %mul3A_95 = arith.mulf %mul3A_87, %add3A_94 : vector<2000x128xf32>
    %swap3A = arith.constant 0 : index
    %swap3A_96 = arith.constant 0 : index
    %swap3A_97 = vector.load %arg14[%swap3A, %swap3A_96] : memref<2000x128xf32, #tpu.memory_space<vmem>>, vector<2000x128xf32>
    tpu.vector_store %arg14[%swap3A, %swap3A_96], %mul3A_95 {strides = array<i32>} : memref<2000x128xf32, #tpu.memory_space<vmem>>, vector<2000x128xf32>,
    %swap3A_98 = arith.constant 0 : index
    %swap3A_99 = arith.constant 0 : index
    %swap3A_100 = vector.load %arg15[%swap3A_98, %swap3A_99] : memref<2000x16xf32, #tpu.memory_space<vmem>>, vector<2000x16xf32>
    tpu.vector_store %arg15[%swap3A_98, %swap3A_99], %add3A_68 {strides = array<i32>} : memref<2000x16xf32, #tpu.memory_space<vmem>>, vector<2000x16xf32>,
    return
  }
  func.func @transform_0(%arg0: i32) -> (i32, i32) {
    %c0_i32 = arith.constant 0 : i32
    %c0_i32_0 = arith.constant 0 : i32
    return %arg0, %c0_i32 : i32, i32
  }
  func.func @transform_1(%arg0: i32) -> (i32, i32) {
    %c0_i32 = arith.constant 0 : i32
    %c0_i32_0 = arith.constant 0 : i32
    return %arg0, %c0_i32 : i32, i32
  }
  func.func @transform_2(%arg0: i32) -> (i32, i32) {
    %c0_i32 = arith.constant 0 : i32
    %c0_i32_0 = arith.constant 0 : i32
    return %arg0, %c0_i32 : i32, i32
  }
  func.func @transform_3(%arg0: i32) -> (i32, i32) {
    %c0_i32 = arith.constant 0 : i32
    %c0_i32_0 = arith.constant 0 : i32
    %c0_i32_1 = arith.constant 0 : i32
    return %c0_i32, %c0_i32_0 : i32, i32
  }
  func.func @transform_4(%arg0: i32) -> (i32, i32) {
    %c0_i32 = arith.constant 0 : i32
    %c0_i32_0 = arith.constant 0 : i32
    %c0_i32_1 = arith.constant 0 : i32
    return %c0_i32, %c0_i32_0 : i32, i32
  }
  func.func @transform_5(%arg0: i32) -> (i32, i32) {
    %c0_i32 = arith.constant 0 : i32
    %c0_i32_0 = arith.constant 0 : i32
    %c0_i32_1 = arith.constant 0 : i32
    return %c0_i32, %c0_i32_0 : i32, i32
  }
  func.func @transform_6(%arg0: i32) -> (i32, i32) {
    %c0_i32 = arith.constant 0 : i32
    %c0_i32_0 = arith.constant 0 : i32
    %c0_i32_1 = arith.constant 0 : i32
    return %c0_i32, %c0_i32_0 : i32, i32
  }
  func.func @transform_7(%arg0: i32) -> (i32, i32) {
    %c0_i32 = arith.constant 0 : i32
    %c0_i32_0 = arith.constant 0 : i32
    %c0_i32_1 = arith.constant 0 : i32
    return %c0_i32, %c0_i32_0 : i32, i32
  }
  func.func @transform_8(%arg0: i32) -> (i32, i32) {
    %c0_i32 = arith.constant 0 : i32
    %c0_i32_0 = arith.constant 0 : i32
    %c0_i32_1 = arith.constant 0 : i32
    return %c0_i32, %c0_i32_0 : i32, i32
  }
  func.func @transform_9(%arg0: i32) -> (i32, i32) {
    %c0_i32 = arith.constant 0 : i32
    %c0_i32_0 = arith.constant 0 : i32
    %c0_i32_1 = arith.constant 0 : i32
    return %c0_i32, %c0_i32_0 : i32, i32
  }
  func.func @transform_10(%arg0: i32) -> (i32, i32) {
    %c0_i32 = arith.constant 0 : i32
    %c0_i32_0 = arith.constant 0 : i32
    %c0_i32_1 = arith.constant 0 : i32
    return %c0_i32, %c0_i32_0 : i32, i32
  }
  func.func @transform_11(%arg0: i32) -> (i32, i32) {
    %c0_i32 = arith.constant 0 : i32
    %c0_i32_0 = arith.constant 0 : i32
    %c0_i32_1 = arith.constant 0 : i32
    return %c0_i32, %c0_i32_0 : i32, i32
  }
  func.func @transform_12(%arg0: i32) -> (i32, i32) {
    %c0_i32 = arith.constant 0 : i32
    %c0_i32_0 = arith.constant 0 : i32
    %c0_i32_1 = arith.constant 0 : i32
    return %c0_i32, %c0_i32_0 : i32, i32
  }
  func.func @transform_13(%arg0: i32) -> (i32, i32) {
    %c0_i32 = arith.constant 0 : i32
    %c0_i32_0 = arith.constant 0 : i32
    return %arg0, %c0_i32 : i32, i32
  }
  func.func @transform_14(%arg0: i32) -> (i32, i32) {
    %c0_i32 = arith.constant 0 : i32
    %c0_i32_0 = arith.constant 0 : i32
    return %arg0, %c0_i32 : i32, i32
  }
}

module attributes {stable_mosaic.version = 14 : i64} {
  func.func @_node_body(%arg0: i32, %arg1: memref<2x400x128xf32, #tpu.memory_space<vmem>>, %arg2: memref<2x400x128xf32, #tpu.memory_space<vmem>>, %arg3: memref<400x128xf32, #tpu.memory_space<vmem>>, %arg4: memref<128x128xf32, #tpu.memory_space<vmem>>, %arg5: memref<1x128xf32, #tpu.memory_space<vmem>>, %arg6: memref<1x128xf32, #tpu.memory_space<vmem>>, %arg7: memref<1x128xf32, #tpu.memory_space<vmem>>, %arg8: memref<400x128xf32, #tpu.memory_space<vmem>>) attributes {dimension_semantics = [#tpu.dimension_semantics<arbitrary>], iteration_bounds = array<i64: 25>, scalar_prefetch = 0 : i64, scratch_operands = 0 : i64, tpu.core_type = #tpu.core_type<tc>, window_params = [{transform_indices = @transform_0, window_bounds = array<i64: 2, 400, 128>}, {transform_indices = @transform_1, window_bounds = array<i64: 2, 400, 128>}, {transform_indices = @transform_2, window_bounds = array<i64: 400, 128>}, {pipeline_mode = #tpu.pipeline_mode<synchronous>, transform_indices = @transform_3, window_bounds = array<i64: 128, 128>}, {pipeline_mode = #tpu.pipeline_mode<synchronous>, transform_indices = @transform_4, window_bounds = array<i64: 1, 128>}, {pipeline_mode = #tpu.pipeline_mode<synchronous>, transform_indices = @transform_5, window_bounds = array<i64: 1, 128>}, {pipeline_mode = #tpu.pipeline_mode<synchronous>, transform_indices = @transform_6, window_bounds = array<i64: 1, 128>}, {transform_indices = @transform_7, window_bounds = array<i64: 400, 128>}]} {
    %get3A = arith.constant 0 : index
    %get3A_0 = arith.constant 0 : index
    %get3A_1 = arith.constant 0 : index
    %get3A_2 = vector.load %arg1[%get3A, %get3A_0, %get3A_1] : memref<2x400x128xf32, #tpu.memory_space<vmem>>, vector<1x400x128xf32>
    %get3A_3 = vector.shape_cast %get3A_2 : vector<1x400x128xf32> to vector<400x128xf32>
    %get3A_4 = arith.constant 1 : index
    %get3A_5 = arith.constant 0 : index
    %get3A_6 = arith.constant 0 : index
    %get3A_7 = vector.load %arg1[%get3A_4, %get3A_5, %get3A_6] : memref<2x400x128xf32, #tpu.memory_space<vmem>>, vector<1x400x128xf32>
    %get3A_8 = vector.shape_cast %get3A_7 : vector<1x400x128xf32> to vector<400x128xf32>
    %add3A = arith.addf %get3A_3, %get3A_8 : vector<400x128xf32>
    %get3A_9 = arith.constant 0 : index
    %get3A_10 = arith.constant 0 : index
    %get3A_11 = arith.constant 0 : index
    %get3A_12 = vector.load %arg2[%get3A_9, %get3A_10, %get3A_11] : memref<2x400x128xf32, #tpu.memory_space<vmem>>, vector<1x400x128xf32>
    %get3A_13 = vector.shape_cast %get3A_12 : vector<1x400x128xf32> to vector<400x128xf32>
    %slice3A = vector.extract_strided_slice %get3A_13 {offsets = [0, 0], sizes = [400, 1], strides = [1, 1]} : vector<400x128xf32> to vector<400x1xf32>
    %get3A_14 = arith.constant 1 : index
    %get3A_15 = arith.constant 0 : index
    %get3A_16 = arith.constant 0 : index
    %get3A_17 = vector.load %arg2[%get3A_14, %get3A_15, %get3A_16] : memref<2x400x128xf32, #tpu.memory_space<vmem>>, vector<1x400x128xf32>
    %get3A_18 = vector.shape_cast %get3A_17 : vector<1x400x128xf32> to vector<400x128xf32>
    %slice3A_19 = vector.extract_strided_slice %get3A_18 {offsets = [0, 0], sizes = [400, 1], strides = [1, 1]} : vector<400x128xf32> to vector<400x1xf32>
    %add3A_20 = arith.addf %slice3A, %slice3A_19 : vector<400x1xf32>
    %max3A = arith.constant 1.000000e+00 : f32
    %max3A_21 = vector.broadcast %max3A : f32 to vector<400x1xf32>
    %max3A_22 = arith.maximumf %add3A_20, %max3A_21 : vector<400x1xf32>
    %div3A = vector.broadcast %max3A_22 : vector<400x1xf32> to vector<400x128xf32>
    %div3A_23 = arith.divf %add3A, %div3A : vector<400x128xf32>
    %get3A_24 = arith.constant 0 : index
    %get3A_25 = arith.constant 0 : index
    %get3A_26 = vector.load %arg4[%get3A_24, %get3A_25] : memref<128x128xf32, #tpu.memory_space<vmem>>, vector<128x128xf32>
    %dot_general3A = arith.constant dense<0.000000e+00> : vector<400x128xf32>
    %dot_general3A_27 = tpu.matmul %div3A_23, %get3A_26, %dot_general3A {dimension_numbers = #tpu.dot_dimension_numbers<[1], [0], [0], [1], [0, 0, 1, 1], [], []>, transpose_lhs_hint = false} : vector<400x128xf32>, vector<128x128xf32>, vector<400x128xf32> -> vector<400x128xf32>
    %get3A_28 = arith.constant 0 : index
    %get3A_29 = arith.constant 0 : index
    %get3A_30 = vector.load %arg5[%get3A_28, %get3A_29] : memref<1x128xf32, #tpu.memory_space<vmem>>, vector<1x128xf32>
    %gt3A = arith.constant 0.000000e+00 : f32
    %gt3A_31 = vector.broadcast %gt3A : f32 to vector<400x1xf32>
    %gt3A_32 = arith.cmpf ogt, %add3A_20, %gt3A_31 : vector<400x1xf32>
    %convert_element_type3A = arith.extui %gt3A_32 : vector<400x1xi1> to vector<400x1xi32>
    %convert_element_type3A_33 = arith.sitofp %convert_element_type3A : vector<400x1xi32> to vector<400x1xf32>
    %mul3A = vector.broadcast %get3A_30 : vector<1x128xf32> to vector<400x128xf32>
    %mul3A_34 = vector.broadcast %convert_element_type3A_33 : vector<400x1xf32> to vector<400x128xf32>
    %mul3A_35 = arith.mulf %mul3A, %mul3A_34 : vector<400x128xf32>
    %add3A_36 = arith.addf %dot_general3A_27, %mul3A_35 : vector<400x128xf32>
    %get3A_37 = arith.constant 0 : index
    %get3A_38 = arith.constant 0 : index
    %get3A_39 = vector.load %arg3[%get3A_37, %get3A_38] : memref<400x128xf32, #tpu.memory_space<vmem>>, vector<400x128xf32>
    %add3A_40 = arith.addf %get3A_39, %add3A_36 : vector<400x128xf32>
    %get3A_41 = arith.constant 0 : index
    %get3A_42 = arith.constant 0 : index
    %get3A_43 = vector.load %arg6[%get3A_41, %get3A_42] : memref<1x128xf32, #tpu.memory_space<vmem>>, vector<1x128xf32>
    %get3A_44 = arith.constant 0 : index
    %get3A_45 = arith.constant 0 : index
    %get3A_46 = vector.load %arg7[%get3A_44, %get3A_45] : memref<1x128xf32, #tpu.memory_space<vmem>>, vector<1x128xf32>
    %reduce_sum3A = arith.constant dense<0.000000e+00> : vector<400xf32>
    %reduce_sum3A_47 = vector.multi_reduction <add>, %add3A_40, %reduce_sum3A [1] : vector<400x128xf32> to vector<400xf32>
    %broadcast_in_dim3A = vector.shape_cast %reduce_sum3A_47 : vector<400xf32> to vector<400x1xf32>
    %div3A_48 = arith.constant 1.280000e+02 : f32
    %div3A_49 = vector.broadcast %div3A_48 : f32 to vector<400x1xf32>
    %div3A_50 = arith.divf %broadcast_in_dim3A, %div3A_49 : vector<400x1xf32>
    %sub3A = vector.broadcast %div3A_50 : vector<400x1xf32> to vector<400x128xf32>
    %sub3A_51 = arith.subf %add3A_40, %sub3A : vector<400x128xf32>
    %integer_pow3A = arith.mulf %sub3A_51, %sub3A_51 : vector<400x128xf32>
    %reduce_sum3A_52 = arith.constant dense<0.000000e+00> : vector<400xf32>
    %reduce_sum3A_53 = vector.multi_reduction <add>, %integer_pow3A, %reduce_sum3A_52 [1] : vector<400x128xf32> to vector<400xf32>
    %broadcast_in_dim3A_54 = vector.shape_cast %reduce_sum3A_53 : vector<400xf32> to vector<400x1xf32>
    %div3A_55 = arith.constant 1.280000e+02 : f32
    %div3A_56 = vector.broadcast %div3A_55 : f32 to vector<400x1xf32>
    %div3A_57 = arith.divf %broadcast_in_dim3A_54, %div3A_56 : vector<400x1xf32>
    %sub3A_58 = vector.broadcast %div3A_50 : vector<400x1xf32> to vector<400x128xf32>
    %sub3A_59 = arith.subf %add3A_40, %sub3A_58 : vector<400x128xf32>
    %add3A_60 = arith.constant 9.99999974E-6 : f32
    %add3A_61 = vector.broadcast %add3A_60 : f32 to vector<400x1xf32>
    %add3A_62 = arith.addf %div3A_57, %add3A_61 : vector<400x1xf32>
    %rsqrt3A = math.rsqrt %add3A_62 : vector<400x1xf32>
    %mul3A_63 = vector.broadcast %rsqrt3A : vector<400x1xf32> to vector<400x128xf32>
    %mul3A_64 = arith.mulf %sub3A_59, %mul3A_63 : vector<400x128xf32>
    %mul3A_65 = vector.broadcast %get3A_43 : vector<1x128xf32> to vector<400x128xf32>
    %mul3A_66 = arith.mulf %mul3A_64, %mul3A_65 : vector<400x128xf32>
    %add3A_67 = vector.broadcast %get3A_46 : vector<1x128xf32> to vector<400x128xf32>
    %add3A_68 = arith.addf %mul3A_66, %add3A_67 : vector<400x128xf32>
    %swap3A = arith.constant 0 : index
    %swap3A_69 = arith.constant 0 : index
    %swap3A_70 = vector.load %arg8[%swap3A, %swap3A_69] : memref<400x128xf32, #tpu.memory_space<vmem>>, vector<400x128xf32>
    tpu.vector_store %arg8[%swap3A, %swap3A_69], %add3A_68 {strides = array<i32>} : memref<400x128xf32, #tpu.memory_space<vmem>>, vector<400x128xf32>,
    return
  }
  func.func @transform_0(%arg0: i32) -> (i32, i32, i32) {
    %c0_i32 = arith.constant 0 : i32
    %c0_i32_0 = arith.constant 0 : i32
    %c0_i32_1 = arith.constant 0 : i32
    return %c0_i32, %arg0, %c0_i32_0 : i32, i32, i32
  }
  func.func @transform_1(%arg0: i32) -> (i32, i32, i32) {
    %c0_i32 = arith.constant 0 : i32
    %c0_i32_0 = arith.constant 0 : i32
    %c0_i32_1 = arith.constant 0 : i32
    return %c0_i32, %arg0, %c0_i32_0 : i32, i32, i32
  }
  func.func @transform_2(%arg0: i32) -> (i32, i32) {
    %c0_i32 = arith.constant 0 : i32
    %c0_i32_0 = arith.constant 0 : i32
    return %arg0, %c0_i32 : i32, i32
  }
  func.func @transform_3(%arg0: i32) -> (i32, i32) {
    %c0_i32 = arith.constant 0 : i32
    %c0_i32_0 = arith.constant 0 : i32
    %c0_i32_1 = arith.constant 0 : i32
    return %c0_i32, %c0_i32_0 : i32, i32
  }
  func.func @transform_4(%arg0: i32) -> (i32, i32) {
    %c0_i32 = arith.constant 0 : i32
    %c0_i32_0 = arith.constant 0 : i32
    %c0_i32_1 = arith.constant 0 : i32
    return %c0_i32, %c0_i32_0 : i32, i32
  }
  func.func @transform_5(%arg0: i32) -> (i32, i32) {
    %c0_i32 = arith.constant 0 : i32
    %c0_i32_0 = arith.constant 0 : i32
    %c0_i32_1 = arith.constant 0 : i32
    return %c0_i32, %c0_i32_0 : i32, i32
  }
  func.func @transform_6(%arg0: i32) -> (i32, i32) {
    %c0_i32 = arith.constant 0 : i32
    %c0_i32_0 = arith.constant 0 : i32
    %c0_i32_1 = arith.constant 0 : i32
    return %c0_i32, %c0_i32_0 : i32, i32
  }
  func.func @transform_7(%arg0: i32) -> (i32, i32) {
    %c0_i32 = arith.constant 0 : i32
    %c0_i32_0 = arith.constant 0 : i32
    return %arg0, %c0_i32 : i32, i32
  }
}

</mosaic_0001>

<sc_bundles>
// kernel: kernel.10.cloned.1.call-start
scs
__scs_entry_jumppad:
0x0: {  	(pc) =	sbr.rel $0x88, $3  }
0x1: {  	(tag) =	ssettag $0x0;
	lr =	simm.s32 $0x1  }
0x2: {  	[smem:$0x3F92] =	sst lr;
	_ =	strace $0xD0000000  }
0x3: {  	_ = 	snop  }
0x4: {  	_ = 	snop  }
0x5: {  	_ = 	snop  }
0x6: {  	_ = 	snop  }
0x7: {  	_ = 	snop  }
__scs_overlays_trampoline_lowered:
0x8: {  	[smem:$0x3FA1] =	sst s0  }
0x9: {  	[smem:$0x3FA2] =	sst s1  }
0xa: {  	[smem:$0x3FA3] =	sst s2  }
0xb: {  	[smem:$0x3FA4] =	sst s3  }
0xc: {  	[smem:$0x3FA5] =	sst s4  }
0xd: {  	[smem:$0x3FA6] =	sst s5  }
0xe: {  	[smem:$0x3FA7] =	sst s6  }
0xf: {  	[smem:$0x3FA8] =	sst s7  }
0x10: {  	[smem:$0x3FA9] =	sst s8  }
0x11: {  	[smem:$0x3FAA] =	sst s9;
	s0 =	simm.s32 @!p0 $0x0  }
0x12: {  	s1 =	sld [smem:$0x3F90];
	s0 =	simm.s32 @p0 $0x1  }
0x13: {  	[smem:$0x3FAB] =	sst s0;
	s0 =	simm.s32 @!p1 $0x0  }
0x14: {  	s2 =	sld [smem:$0x3F8F];
	s0 =	simm.s32 @p1 $0x1  }
0x15: {  	[smem:$0x3FAC] =	sst s0;
	s0 =	simm.s32 @!p2 $0x0  }
0x16: {  	s3 =	sld [smem:$0x3FDB];
	s0 =	simm.s32 @p2 $0x1  }
0x17: {  	s4 =	simm.s32 $0x1BF5;
	[smem:$0x3FAE] =	sst s0  }
0x18: {  	s0 =	sld [smem:$0x3F91];
	_ =	swait.ge [sflag:s4], $0x0  }
0x19: {  	s7 =	sld [smem:$0x3F92]  }
0x1a: {  	s8 =	sadd.s32 $0xFFFFE003, lr  }
0x1b: {  	s9 =	sadd.s32 $0xFFFFFEF7, lr;
	s5 =	simm.s32 $0xFFFFFFFF;
	p2 =	slt.u32 s8, $0xFFFFF086  }
0x1c: {  	p1 =	slt.u32 s9, $0xF7A;
	s5 =	simm.s32 @!p2 $0x0  }
0x1d: {  	s5 =	simm.s32 @p1 $0x1;
	p0 =	seq.s32 s7, s2  }
0x1e: {  	s7 =	smul.u32 @!p0 $0xF7A, s2;
	p2 =	seq.s32 @!p0 s5, $0x0  }
0x1f: {  	s9 =	smul.u32 $0xF7A, s1;
	s8 =	simm.s32 @!p0 $0x1BF5;
	p2 =	por !p2, p0  }
0x20: {  	[sflag:s8] =	ssyncset.s32 @!p0 $0xFFFFF086;
	s6 =	sadd.s32 @!p0 s3, s7;
	s7 =	simm.s32 @!p0 $0x108  }
0x21: {  	s3 =	sadd.s32 s3, s9;
	s6 =	sadd.s32 @!p0 $0x88, s6;
	s7 =	simm.s32 @p2 $0x1082  }
0x22: {  	[simem:s7], [sflag:s8] =	dma.local @!p0 [hbm:s6], $0xF7A  }
0x23: {  	s9 =	sor.u32 $0xD0000000, s2;
	s6 =	simm.s32 $0x108;
	_ =	swait.ge @!p0 [sflag:s8], $0x0  }
0x24: {  	s3 =	sadd.s32 $0x88, s3;
	s6 =	simm.s32 @!p1 $0x1082;
	[sflag:s4] =	ssyncset.s32 $0xFFFFF086  }
0x25: {  	[simem:s6], [sflag:s4] =	dma.local [hbm:s3], $0xF7A  }
0x26: {  	[smem:$0x3F92] =	sst s1;
	(tag) =	ssettag s2;
	_ =	strace s9  }
0x27: {  	s1 =	sld [smem:$0x3FA2]  }
0x28: {  	s2 =	sld [smem:$0x3FA3]  }
0x29: {  	s4 =	sld [smem:$0x3FA5]  }
0x2a: {  	p0 =	seq.s32 s5, $0x0;
	s5 =	sld [smem:$0x3FA6]  }
0x2b: {  	s6 =	sld [smem:$0x3FA7]  }
0x2c: {  	s7 =	sld [smem:$0x3FA8]  }
0x2d: {  	s3 =	simm.s32 $0x108;
	s8 =	sld [smem:$0x3FA9]  }
0x2e: {  	s3 =	simm.s32 @!p0 $0x1082;
	s9 =	sld [smem:$0x3FAA]  }
0x2f: {  	lr =	sadd.s32 s0, s3;
	s0 =	sld [smem:$0x3FA1]  }
0x30: {  	s3 =	sld [smem:$0x3FA4]  }
0x31: {  	[smem:$0x3FAD] =	sst s10  }
0x32: {  	s10 =	sld [smem:$0x3FAB];
	_ =	sdelay $0x3  }
0x33: {  	p0 =	seq.s32 s10, $0x1;
	s10 =	sld [smem:$0x3FAD];
	_ =	sdelay $0x3  }
0x34: {  	[smem:$0x3FAD] =	sst s10  }
0x35: {  	s10 =	sld [smem:$0x3FAC];
	_ =	sdelay $0x3  }
0x36: {  	p1 =	seq.s32 s10, $0x1;
	s10 =	sld [smem:$0x3FAD];
	_ =	sdelay $0x3  }
0x37: {  	[smem:$0x3FAD] =	sst s10  }
0x38: {  	s10 =	sld [smem:$0x3FAE]  }
0x39: {  	_ = 	snop;
	(pc) =	sbr.ind lr, $3  }
0x3a: {  	_ = 	snop  }
0x3b: {  	_ = 	snop  }
0x3c: {  	p2 =	seq.s32 s10, $0x1;
	s10 =	sld [smem:$0x3FAD]  }
0x3d: {  	_ =	shalt  }
0x3e: {  	_ =	shalt  }
0x3f: {  	_ =	shalt  }
0x40: {  	_ =	shalt  }
0x41: {  	_ =	shalt  }
0x42: {  	_ =	shalt  }
0x43: {  	_ =	shalt  }
0x44: {  	_ =	shalt  }
0x45: {  	_ =	shalt  }
0x46: {  	_ =	shalt  }
0x47: {  	_ =	shalt  }
0x48: {  	_ =	shalt  }
0x49: {  	_ =	shalt  }
0x4a: {  	_ =	shalt  }
0x4b: {  	_ =	shalt  }
0x4c: {  	_ =	shalt  }
0x4d: {  	_ =	shalt  }
0x4e: {  	_ =	shalt  }
0x4f: {  	_ =	shalt  }
0x50: {  	_ =	shalt  }
0x51: {  	_ =	shalt  }
0x52: {  	_ =	shalt  }
0x53: {  	_ =	shalt  }
0x54: {  	_ =	shalt  }
0x55: {  	_ =	shalt  }
0x56: {  	_ =	shalt  }
0x57: {  	_ =	shalt  }
0x58: {  	_ =	shalt  }
0x59: {  	_ =	shalt  }
0x5a: {  	_ =	shalt  }
0x5b: {  	_ =	shalt  }
0x5c: {  	_ =	shalt  }
0x5d: {  	_ =	shalt  }
0x5e: {  	_ =	shalt  }
0x5f: {  	_ =	shalt  }
0x60: {  	_ =	shalt  }
0x61: {  	_ =	shalt  }
0x62: {  	_ =	shalt  }
0x63: {  	_ =	shalt  }
0x64: {  	_ =	shalt  }
0x65: {  	_ =	shalt  }
0x66: {  	_ =	shalt  }
0x67: {  	_ =	shalt  }
0x68: {  	_ =	shalt  }
0x69: {  	_ =	shalt  }
0x6a: {  	_ =	shalt  }
0x6b: {  	_ =	shalt  }
0x6c: {  	_ =	shalt  }
0x6d: {  	_ =	shalt  }
0x6e: {  	_ =	shalt  }
0x6f: {  	_ =	shalt  }
0x70: {  	_ =	shalt  }
0x71: {  	_ =	shalt  }
0x72: {  	_ =	shalt  }
0x73: {  	_ =	shalt  }
0x74: {  	_ =	shalt  }
0x75: {  	_ =	shalt  }
0x76: {  	_ =	shalt  }
0x77: {  	_ =	shalt  }
0x78: {  	_ =	shalt  }
0x79: {  	_ =	shalt  }
0x7a: {  	_ =	shalt  }
0x7b: {  	_ =	shalt  }
0x7c: {  	_ =	shalt  }
0x7d: {  	_ =	shalt  }
0x7e: {  	_ =	shalt  }
0x7f: {  	_ =	shalt  }
0x80: {  	_ =	shalt  }
0x81: {  	_ =	shalt  }
0x82: {  	_ =	shalt  }
0x83: {  	_ =	shalt  }
0x84: {  	_ =	shalt  }
0x85: {  	_ =	shalt  }
0x86: {  	_ =	shalt  }
0x87: {  	_ =	shalt  }
.Lfunc_end0:
.L_simem_size_0:
called_computation.1_lowered:
.L_overlay_start_0:
0x88: {  	s2 =	sld [smem:$0x3FD9]  }
0x89: {  	s3 =	sld [smem:$0x3FFE];
	_ =	sdelay $0x1  }
0x8a: {  	s1 =	srdreg.scid  }
0x8b: {  	s0 =	sand.u32 $0x1, s1  }
0x8c: {  	s15 =	sshll.u32 s0, $0xA;
	s2 =	sadd.s32 s3, s2  }
0x8d: {  	s2 =	sadd.s32 s2, s15  }
0x8e: {  	[smem:$0x3FB9] =	sst s2  }
0x8f: {  	_ = 	snop  }
0x90: {  	s2 =	sld [smem:$0x3FD0];
	_ =	sdelay $0x2  }
0x91: {  	s16 =	simm.s32 $0xB;
	s4 =	simm.s32 $0x10  }
0x92: {  	[smem:s4], [sflag:s16] =	dma.local [hbm:s2], $0x1  }
0x93: {  	_ =	swait.eq [sflag:s16], $0x1  }
0x94: {  	[sflag:s16] =	ssyncset.done $0x0  }
0x95: {  	[sflag:s16] =	ssyncadd.s32 $0xFFFFFFFF  }
0x96: {  	s17 =	sld [smem:$0x10];
	(tm) =	ssettm $0x1  }
0x97: {  	s18 =	sld [smem:$0x3FFB];
	_ =	sdelay $0x3  }
0x98: {  	_ =	strace s18  }
0x99: {  	s2 =	sld [smem:$0x3FFC];
	_ =	sdelay $0x3  }
0x9a: {  	_ =	strace s2  }
0x9b: {  	s2 =	sld [smem:$0x3FFD];
	_ =	sdelay $0x3  }
0x9c: {  	_ =	strace s2  }
0x9d: {  	_ =	strace $0x8FFFFFFF  }
0x9e: {  	s19 =	sld [smem:$0x3FDB];
	_ =	sdelay $0x1  }
0x9f: {  	s20 =	simm.s32 $_scs_section_size  }
0xa0: {  	s5 =	simm.s32 $_size__tile_overlayer_lowered;
	s6 =	simm.s32 $_tile_overlayer_lowered  }
0xa1: {  	s7 =	simm.s32 $0x1BFF;
	s21 =	sshll.u32 s6, $0x1;
	s4 =	sadd.s32 s20, s19  }
0xa2: {  	s22 =	simm.s32 $0x0;
	s5 =	sshll.u32 s5, $0x1;
	s6 =	sadd.s32 s21, s4  }
0xa3: {  	[timem:s22], [sflag:s7] =	dma.local [hbm:s6], s5  }
0xa4: {  	_ =	swait.ge [sflag:s7], s5  }
0xa5: {  	s5 =	ssub.s32 $0x0, s5;
	[sflag:s7] =	ssyncset.done $0x0  }
0xa6: {  	[sflag:s7] =	ssyncadd.s32 s5;
	_ =	sdelay $0x1  }
0xa7: {  	s23 =	simm.s32 $0x1B8B  }
0xa8: {  	_ =	swait.ge [sflag:s23], $0x1  }
0xa9: {  	[sflag:s23] =	ssyncset.done $0x0  }
0xaa: {  	[sflag:s23] =	ssyncadd.s32 $0xFFFFFFFF  }
0xab: {  	s5 =	sld [smem:$0x0]  }
0xac: {  	s6 =	sand.u32 $0xFFFFFFFE, s1  }
0xad: {  	p0 =	sne.s32 s1, s6  }
0xae: {  	s6 =	sshll.u32 @p0 s6, $0xE  }
0xaf: {  	s6 =	sadd.s32 @p0 $0x11B8D, s6;
	s7 =	sshll.u32 @p0 s5, $0x11  }
0xb0: {  	s6 =	sor.u32 @p0 s7, s6  }
0xb1: {  	[sflag:s6] =	ssyncadd.remote.s32 @p0 $0x1;
	_ =	sdelay $0x1  }
0xb2: {  	s6 =	simm.s32 @p0 $0x1B8D  }
0xb3: {  	_ =	swait.eq @p0 [sflag:s6], $0x1  }
0xb4: {  	[sflag:s6] =	ssyncadd.s32 @p0 $0xFFFFFFFF  }
0xb5: {  	s7 =	sshll.u32 @!p0 s1, $0xE  }
0xb6: {  	s7 =	sor.u32 @!p0 $0x4000, s7;
	s6 =	simm.s32 @!p0 $0x1B8D  }
0xb7: {  	s5 =	sshll.u32 @!p0 s5, $0x11;
	s7 =	sadd.s32 @!p0 $0x11B8D, s7;
	_ =	swait.eq @!p0 [sflag:s6], $0x1  }
0xb8: {  	s5 =	sor.u32 @!p0 s5, s7;
	[sflag:s6] =	ssyncadd.s32 @!p0 $0xFFFFFFFF  }
0xb9: {  	s25 =	simm.s32 $0x1B8E;
	s24 =	sld [smem:$0x3FFE];
	[sflag:s5] =	ssyncadd.remote.s32 @!p0 $0x1  }
0xba: {  	s26 =	simm.s32 $execute0_lowered;
	[smem:$0x3FD2] =	sst s25  }
0xbb: {  	s6 =	sshll.u32 s26, $0x1;
	_ =	strace $0x80000049;
	[dreg:$0x1] =	wrdreg $0xFFFFFFFF  }
0xbc: {  	s28 =	simm.s32 $_size_execute0_lowered;
	s4 =	sadd.s32 s4, s6;
	[dreg:$0x0] =	wrdreg $0x0  }
0xbd: {  	s6 =	sshll.u32 s28, $0x1;
	[dreg:$0x2] =	wrdreg s4  }
0xbe: {  	[dreg:$0x3] =	wrdreg s6  }
0xbf: {  	[dreg:$0x4] =	wrdreg $0xC0  }
0xc0: {  	_ =	task [dreg:s22], $0x5FFFF  }
0xc1: {  	[dreg:$0x1] =	wrdreg $0xFFFFFFFF  }
0xc2: {  	[dreg:$0x0] =	wrdreg $0x60  }
0xc3: {  	[dreg:$0x2] =	wrdreg s17  }
0xc4: {  	[dreg:$0x3] =	wrdreg s24  }
0xc5: {  	[dreg:$0x4] =	wrdreg $0x68000  }
0xc6: {  	[dreg:$0x5] =	wrdreg $0x9  }
0xc7: {  	_ =	task.clear_ibuf [dreg:s22], $0x6FFFF;
	_ =	strace $0x90000049  }
0xc8: {  	s29 =	simm.s32 $0x9;
	_ =	strace $0x8000004B  }
0xc9: {  	_ =	swait.ge [sflag:s29], $0x1  }
0xca: {  	[sflag:s29] =	ssyncadd.s32 $0xFFFFFFFF  }
0xcb: {  	_ =	strace $0x9000004B  }
0xcc: {  	_ =	sfence  }
0xcd: {  	s30 =	sld [smem:$0x0];
	_ =	sdelay $0x2  }
0xce: {  	s31 =	sshll.u32 s1, $0xD;
	s1 =	sshrl.u32 s1, $0x2  }
0xcf: {  	s4 =	sand.u32 $0x4000, s31;
	s1 =	sadd.s32 s1, s30  }
0xd0: {  	s0 =	sor.u32 s4, s0;
	s1 =	sshll.u32 s1, $0x11  }
0xd1: {  	s0 =	sor.u32 s1, s0  }
0xd2: {  	s0 =	sadd.s32 $0x8F2B, s0  }
0xd3: {  	[sflag:s0] =	ssyncadd.remote.s32 $0x1  }
0xd4: {  	_ =	sfence.sel $0xFFFF  }
0xd5: {  	[dreg:$0x0] =	wrdreg $0xFFFFFFFF;
	(pc) =	sbr.abs _section_cstart, $3  }
0xd6: {  	[dreg:$0x1] =	wrdreg $0xFFFFFFFF  }
0xd7: {  	_ =	task.clear_ibuf [dreg:s22], $0x2FFFF;
	_ =	strace $0x9FFFFFFF  }
0xd8: {  	(tm) =	ssettm $0x7FFFFFFF  }
0xd9: {  	_ =	shalt  }
tec
execute0_lowered:
.L_overlay_start_1:
0x0: {  	(tag) =	ssettag $0x1  }
0x1: {  	s5 =	rddreg [dreg:$0x0]  }
0x2: {  	s6 =	rddreg [dreg:$0x1]  }
0x3: {  	s1 =	rddreg [dreg:$0x2]  }
0x4: {  	s0 =	rddreg [dreg:$0x3]  }
0x5: {  	s3 =	srdreg.scid;
	s8 =	stileid.u32  }
0x6: {  	s2 =	simm.s32 $0x0;
	s12 =	simm.s32 $0x1;
	s13 =	simm.s32 $0x0  }
0x7: {  	s3 =	sand.u32 $0x1, s3;
	s4 =	sshll.u32 s8, $0x1;
	[smem:$0x7FF] =	sst s2  }
0x8: {  	p0 =	sne.s32 s8, $0x0;
	s7 =	smul.u32 $0x27180, s3;
	s4 =	sor.u32 s3, s4  }
0x9: {  	_ =	strace $0x8000004A;
	s9 =	ssub.s32 $0x2, s3;
	s3 =	sadd.s32 $0xA35800, s6  }
0xa: {  	s8 =	sshrl.u32 @!p0 s1, $0x3;
	s10 =	smul.u32 $0x500, s4;
	s11 =	sshrl.u32 s9, $0x1  }
0xb: {  	s4 =	sadd.s32 $0xA0E600, s6;
	s6 =	sadd.s32 s7, s6;
	s31 =	ssub.s32 s9, s11  }
0xc: {  	s9 =	simm.s32 $0x2;
	s11 =	simm.s32 $0x80;
	s5 =	sadd.s32 s5, s10  }
0xd: {  	s6 =	sadd.s32 $0xA36000, s6;
	s7 =	smax.u32 s31, $0x1;
	s10 =	simm.s32 $0x2800  }
.LBB2_1:
0xe: {  	s14 =	simm.s32 @!p0 $0x1C02  }
0xf: {  	[spmem:s8], [sflag:s14] =	dma.local @!p0 [hbm:s4], $0x27180  }
0x10: {  	s14 =	simm.s32 @!p0 $0x2  }
0x11: {  	_ =	swait.ge @!p0 [sflag:s14], $0x27180  }
0x12: {  	[sflag:s14] =	ssyncset.done @!p0 $0x0  }
0x13: {  	[sflag:s14] =	ssyncadd.s32 @!p0 $0xFFFD8E80  }
0x14: {  	[tilespmem:s2], [sflag:$0x2] =	stream.linear.gather [hbm4b:s5+s2], $0x2800, $0x38;
	[tilespmem:$0x1A0C0] =	vst v63  }
0x15: {  	_ =	swait.ge [sflag:s9], $0x2800  }
0x16: {  	[sflag:s9] =	ssyncset.done $0x0  }
0x17: {  	[sflag:s9] =	ssyncadd.s32 $0xFFFFD800  }
0x18: {  	[tilespmem:s10], [sflag:$0x2] =	stream.linear.gather [hbm4b:s3+s2], $0x4000, $0x38;
	[tilespmem:$0x1A0C0] =	vst v63  }
0x19: {  	_ =	swait.ge [sflag:s9], $0x4000  }
0x1a: {  	[sflag:s9] =	ssyncset.done $0x0  }
0x1b: {  	[sflag:s9] =	ssyncadd.s32 $0xFFFFC000  }
0x1c: {  	s23 =	simm.s32 $0x0;
	[bflag:$0x0] =	sbarrier.arrive $0xFFFF  }
0x1d: {  	[spmem:s1] =	stream.indirect.scatter.add.f32 [tilespmem:s10], [sflag:$0x1], $0x80, s23, s11, $0xb8;
	[tilespmem:$0x1A0C0] =	vst v63  }
0x1e: {  	s24 =	simm.s32 $0x80  }
0x1f: {  	[spmem:s1] =	stream.indirect.scatter.add.f32 [tilespmem:s10], [sflag:$0x1], $0x80, s24, s11, $0xb8;
	[tilespmem:$0x1A0C0] =	vst v63  }
0x20: {  	s25 =	simm.s32 $0x100  }
0x21: {  	[spmem:s1] =	stream.indirect.scatter.add.f32 [tilespmem:s10], [sflag:$0x1], $0x80, s25, s11, $0xb8;
	[tilespmem:$0x1A0C0] =	vst v63  }
0x22: {  	s26 =	simm.s32 $0x180  }
0x23: {  	[spmem:s1] =	stream.indirect.scatter.add.f32 [tilespmem:s10], [sflag:$0x1], $0x80, s26, s11, $0xb8;
	[tilespmem:$0x1A0C0] =	vst v63  }
0x24: {  	s28 =	simm.s32 $0x200  }
0x25: {  	[spmem:s1] =	stream.indirect.scatter.add.f32 [tilespmem:s10], [sflag:$0x1], $0x80, s28, s11, $0xb8;
	[tilespmem:$0x1A0C0] =	vst v63  }
0x26: {  	s29 =	simm.s32 $0x280  }
0x27: {  	[spmem:s1] =	stream.indirect.scatter.add.f32 [tilespmem:s10], [sflag:$0x1], $0x80, s29, s11, $0xb8;
	[tilespmem:$0x1A0C0] =	vst v63  }
0x28: {  	s30 =	simm.s32 $0x300  }
0x29: {  	[spmem:s1] =	stream.indirect.scatter.add.f32 [tilespmem:s10], [sflag:$0x1], $0x80, s30, s11, $0xb8;
	[tilespmem:$0x1A0C0] =	vst v63  }
0x2a: {  	s31 =	simm.s32 $0x380  }
0x2b: {  	[spmem:s1] =	stream.indirect.scatter.add.f32 [tilespmem:s10], [sflag:$0x1], $0x80, s31, s11, $0xb8;
	[tilespmem:$0x1A0C0] =	vst v63  }
0x2c: {  	_ =	swait.ge [sflag:s12], $0x4000  }
0x2d: {  	[sflag:s12] =	ssyncset.done $0x0  }
0x2e: {  	[sflag:s12] =	ssyncadd.s32 $0xFFFFC000  }
0x2f: {  	_ =	swait.ge [sflag:s12], $0x4000  }
0x30: {  	[sflag:s12] =	ssyncset.done $0x0  }
0x31: {  	[sflag:s12] =	ssyncadd.s32 $0xFFFFC000  }
0x32: {  	_ =	swait.ge [sflag:s12], $0x4000  }
0x33: {  	[sflag:s12] =	ssyncset.done $0x0  }
0x34: {  	[sflag:s12] =	ssyncadd.s32 $0xFFFFC000  }
0x35: {  	_ =	swait.ge [sflag:s12], $0x4000  }
0x36: {  	[sflag:s12] =	ssyncset.done $0x0  }
0x37: {  	[sflag:s12] =	ssyncadd.s32 $0xFFFFC000  }
0x38: {  	_ =	swait.ge [sflag:s12], $0x4000  }
0x39: {  	[sflag:s12] =	ssyncset.done $0x0  }
0x3a: {  	[sflag:s12] =	ssyncadd.s32 $0xFFFFC000  }
0x3b: {  	_ =	swait.ge [sflag:s12], $0x4000  }
0x3c: {  	[sflag:s12] =	ssyncset.done $0x0  }
0x3d: {  	[sflag:s12] =	ssyncadd.s32 $0xFFFFC000  }
0x3e: {  	_ =	swait.ge [sflag:s12], $0x4000  }
0x3f: {  	[sflag:s12] =	ssyncset.done $0x0  }
0x40: {  	[sflag:s12] =	ssyncadd.s32 $0xFFFFC000  }
0x41: {  	_ =	swait.ge [sflag:s12], $0x4000  }
0x42: {  	s16 =	simm.s32 $0x2000;
	s14 =	simm.s32 $0x1000;
	[sflag:s12] =	ssyncset.done $0x0  }
.LBB2_2:
0x43: {  	s17 =	sshra.s32 s14, $0x2  }
0x44: {  	[sflag:s12] =	ssyncadd.s32 $0xFFFFC000;
	s14 =	smov.u32 s16;
	s15 =	sadd.s32 $0x1000, s16  }
0x45: {  	[spmem:s1] =	stream.indirect.scatter.add.f32 [tilespmem:s10], [sflag:$0x1], $0x80, s17, s11, $0xb8;
	[tilespmem:$0x1A0C0] =	vst v63  }
0x46: {  	p1 =	sne.s32 s16, $0x9000;
	s16 =	sadd.s32 $0x80, s17  }
0x47: {  	[spmem:s1] =	stream.indirect.scatter.add.f32 [tilespmem:s10], [sflag:$0x1], $0x80, s16, s11, $0xb8;
	[tilespmem:$0x1A0C0] =	vst v63  }
0x48: {  	s16 =	sadd.s32 $0x100, s17  }
0x49: {  	[spmem:s1] =	stream.indirect.scatter.add.f32 [tilespmem:s10], [sflag:$0x1], $0x80, s16, s11, $0xb8;
	[tilespmem:$0x1A0C0] =	vst v63  }
0x4a: {  	s16 =	sadd.s32 $0x180, s17  }
0x4b: {  	[spmem:s1] =	stream.indirect.scatter.add.f32 [tilespmem:s10], [sflag:$0x1], $0x80, s16, s11, $0xb8;
	[tilespmem:$0x1A0C0] =	vst v63  }
0x4c: {  	s16 =	sadd.s32 $0x200, s17  }
0x4d: {  	[spmem:s1] =	stream.indirect.scatter.add.f32 [tilespmem:s10], [sflag:$0x1], $0x80, s16, s11, $0xb8;
	[tilespmem:$0x1A0C0] =	vst v63  }
0x4e: {  	s16 =	sadd.s32 $0x280, s17  }
0x4f: {  	[spmem:s1] =	stream.indirect.scatter.add.f32 [tilespmem:s10], [sflag:$0x1], $0x80, s16, s11, $0xb8;
	[tilespmem:$0x1A0C0] =	vst v63  }
0x50: {  	s16 =	sadd.s32 $0x300, s17  }
0x51: {  	[spmem:s1] =	stream.indirect.scatter.add.f32 [tilespmem:s10], [sflag:$0x1], $0x80, s16, s11, $0xb8;
	[tilespmem:$0x1A0C0] =	vst v63  }
0x52: {  	s16 =	sadd.s32 $0x380, s17  }
0x53: {  	[spmem:s1] =	stream.indirect.scatter.add.f32 [tilespmem:s10], [sflag:$0x1], $0x80, s16, s11, $0xb8;
	[tilespmem:$0x1A0C0] =	vst v63  }
0x54: {  	_ =	swait.ge [sflag:s12], $0x4000  }
0x55: {  	[sflag:s12] =	ssyncset.done $0x0  }
0x56: {  	[sflag:s12] =	ssyncadd.s32 $0xFFFFC000  }
0x57: {  	_ =	swait.ge [sflag:s12], $0x4000  }
0x58: {  	[sflag:s12] =	ssyncset.done $0x0  }
0x59: {  	[sflag:s12] =	ssyncadd.s32 $0xFFFFC000  }
0x5a: {  	_ =	swait.ge [sflag:s12], $0x4000  }
0x5b: {  	[sflag:s12] =	ssyncset.done $0x0  }
0x5c: {  	[sflag:s12] =	ssyncadd.s32 $0xFFFFC000  }
0x5d: {  	_ =	swait.ge [sflag:s12], $0x4000  }
0x5e: {  	[sflag:s12] =	ssyncset.done $0x0  }
0x5f: {  	[sflag:s12] =	ssyncadd.s32 $0xFFFFC000  }
0x60: {  	_ =	swait.ge [sflag:s12], $0x4000  }
0x61: {  	[sflag:s12] =	ssyncset.done $0x0  }
0x62: {  	[sflag:s12] =	ssyncadd.s32 $0xFFFFC000  }
0x63: {  	_ =	swait.ge [sflag:s12], $0x4000  }
0x64: {  	[sflag:s12] =	ssyncset.done $0x0  }
0x65: {  	[sflag:s12] =	ssyncadd.s32 $0xFFFFC000  }
.Ltmp0:
0x66: {  	_ =	swait.ge [sflag:s12], $0x4000;
	(pc) =	sbr.rel @p1 .LBB2_2-.Ltmp0, $4  }
0x67: {  	[sflag:s12] =	ssyncset.done $0x0  }
0x68: {  	[sflag:s12] =	ssyncadd.s32 $0xFFFFC000  }
0x69: {  	_ =	swait.ge [sflag:s12], $0x4000  }
0x6a: {  	s16 =	smov.u32 s15;
	[sflag:s12] =	ssyncset.done $0x0  }
0x6b: {  	s14 =	sshra.s32 s14, $0x2;
	[sflag:s12] =	ssyncadd.s32 $0xFFFFC000  }
0x6c: {  	[spmem:s1] =	stream.indirect.scatter.add.f32 [tilespmem:s10], [sflag:$0x1], $0x80, s14, s11, $0xb8;
	[tilespmem:$0x1A0C0] =	vst v63  }
0x6d: {  	s15 =	sadd.s32 $0x80, s14  }
0x6e: {  	[spmem:s1] =	stream.indirect.scatter.add.f32 [tilespmem:s10], [sflag:$0x1], $0x80, s15, s11, $0xb8;
	[tilespmem:$0x1A0C0] =	vst v63  }
0x6f: {  	s26 =	sadd.s32 $0x100, s14  }
0x70: {  	[spmem:s1] =	stream.indirect.scatter.add.f32 [tilespmem:s10], [sflag:$0x1], $0x80, s26, s11, $0xb8;
	[tilespmem:$0x1A0C0] =	vst v63  }
0x71: {  	s28 =	sadd.s32 $0x180, s14  }
0x72: {  	[spmem:s1] =	stream.indirect.scatter.add.f32 [tilespmem:s10], [sflag:$0x1], $0x80, s28, s11, $0xb8;
	[tilespmem:$0x1A0C0] =	vst v63  }
0x73: {  	s29 =	sadd.s32 $0x200, s14  }
0x74: {  	[spmem:s1] =	stream.indirect.scatter.add.f32 [tilespmem:s10], [sflag:$0x1], $0x80, s29, s11, $0xb8;
	[tilespmem:$0x1A0C0] =	vst v63  }
0x75: {  	s30 =	sadd.s32 $0x280, s14  }
0x76: {  	[spmem:s1] =	stream.indirect.scatter.add.f32 [tilespmem:s10], [sflag:$0x1], $0x80, s30, s11, $0xb8;
	[tilespmem:$0x1A0C0] =	vst v63  }
0x77: {  	s31 =	sadd.s32 $0x300, s14  }
0x78: {  	[spmem:s1] =	stream.indirect.scatter.add.f32 [tilespmem:s10], [sflag:$0x1], $0x80, s31, s11, $0xb8;
	[tilespmem:$0x1A0C0] =	vst v63  }
0x79: {  	s14 =	sadd.s32 $0x380, s14  }
0x7a: {  	[spmem:s1] =	stream.indirect.scatter.add.f32 [tilespmem:s10], [sflag:$0x1], $0x80, s14, s11, $0xb8;
	[tilespmem:$0x1A0C0] =	vst v63  }
0x7b: {  	_ =	swait.ge [sflag:s12], $0x4000  }
0x7c: {  	[sflag:s12] =	ssyncset.done $0x0  }
0x7d: {  	[sflag:s12] =	ssyncadd.s32 $0xFFFFC000  }
0x7e: {  	_ =	swait.ge [sflag:s12], $0x4000  }
0x7f: {  	[sflag:s12] =	ssyncset.done $0x0  }
0x80: {  	[sflag:s12] =	ssyncadd.s32 $0xFFFFC000  }
0x81: {  	_ =	swait.ge [sflag:s12], $0x4000  }
0x82: {  	[sflag:s12] =	ssyncset.done $0x0  }
0x83: {  	[sflag:s12] =	ssyncadd.s32 $0xFFFFC000  }
0x84: {  	_ =	swait.ge [sflag:s12], $0x4000  }
0x85: {  	[sflag:s12] =	ssyncset.done $0x0  }
0x86: {  	[sflag:s12] =	ssyncadd.s32 $0xFFFFC000  }
0x87: {  	_ =	swait.ge [sflag:s12], $0x4000  }
0x88: {  	[sflag:s12] =	ssyncset.done $0x0  }
0x89: {  	[sflag:s12] =	ssyncadd.s32 $0xFFFFC000  }
0x8a: {  	_ =	swait.ge [sflag:s12], $0x4000  }
0x8b: {  	[sflag:s12] =	ssyncset.done $0x0  }
0x8c: {  	[sflag:s12] =	ssyncadd.s32 $0xFFFFC000  }
0x8d: {  	_ =	swait.ge [sflag:s12], $0x4000  }
0x8e: {  	[sflag:s12] =	ssyncset.done $0x0  }
0x8f: {  	[sflag:s12] =	ssyncadd.s32 $0xFFFFC000  }
0x90: {  	_ =	swait.ge [sflag:s12], $0x4000  }
0x91: {  	[sflag:s12] =	ssyncset.done $0x0  }
0x92: {  	s13 =	sadd.s32 $0x1, s13;
	[sflag:s12] =	ssyncadd.s32 $0xFFFFC000  }
0x93: {  	p1 =	sne.s32 s13, s7;
	s14 =	simm.s32 @!p0 $0x1C02;
	[bflag:$0x0] =	sbarrier.arrive $0xFFFF  }
0x94: {  	[hbm:s6], [sflag:s14] =	dma.local @!p0 [spmem:s8], $0x27180  }
.Ltmp1:
0x95: {  	_ = 	snop;
	(pc) =	sbr.rel @p1 .LBB2_1-.Ltmp1, $4  }
0x96: {  	s14 =	simm.s32 @!p0 $0x2  }
0x97: {  	_ =	swait.ge @!p0 [sflag:s14], $0x27180  }
0x98: {  	[sflag:s14] =	ssyncset.done @!p0 $0x0  }
0x99: {  	[sflag:s14] =	ssyncadd.s32 @!p0 $0xFFFD8E80  }
0x9a: {  	_ =	sfence.sel $0x180000  }
0x9b: {  	[bflag:$0x0] =	sbarrier.arrive $0xFFFF  }
0x9c: {  	_ =	strace $0x9000004A  }
0x9d: {  	s0 =	sadd.s32 @!p0 $0x100000, s0;
	[bflag:$0x2] =	sbarrier.arrive $0xFFFF  }
0x9e: {  	[sflag:s0] =	ssyncadd.tile.s32 @!p0 $0x1;
	_ =	shalt  }
.Lfunc_end2:
_tile_overlayer_lowered:
.L_overlay_start_2:
0x9f: {  	(tag) =	ssettag $0x2  }
0xa0: {  	s0 =	rddreg [dreg:$0x0];
	s2 =	stileid.u32  }
0xa1: {  	s1 =	rddreg [dreg:$0x1];
	p0 =	sne.s32 s2, $0x0  }
0xa2: {  	s3 =	rddreg [dreg:$0x2];
	[bflag:$0x3] =	sbarrier.arrive $0xFFFF;
	s2 =	simm.s32 @!p0 $0x1C02  }
0xa3: {  	[timem:s3], [sflag:s2] =	dma.local @!p0 [hbm:s0], s1  }
0xa4: {  	s0 =	simm.s32 @!p0 $0x2  }
0xa5: {  	_ =	swait.ge @!p0 [sflag:s0], s1  }
0xa6: {  	s1 =	ssub.s32 @!p0 $0x0, s1;
	[sflag:s0] =	ssyncset.done @!p0 $0x0  }
0xa7: {  	[sflag:s0] =	ssyncadd.s32 @!p0 s1  }
0xa8: {  	[bflag:$0x3] =	sbarrier.arrive $0xFFFF  }
0xa9: {  	_ =	shalt  }

// kernel: kernel.13.cloned.1.call-start
scs
__scs_entry_jumppad:
0x0: {  	(pc) =	sbr.rel $0x88, $3  }
0x1: {  	(tag) =	ssettag $0x0;
	lr =	simm.s32 $0x1  }
0x2: {  	[smem:$0x3F92] =	sst lr;
	_ =	strace $0xD0000000  }
0x3: {  	_ = 	snop  }
0x4: {  	_ = 	snop  }
0x5: {  	_ = 	snop  }
0x6: {  	_ = 	snop  }
0x7: {  	_ = 	snop  }
__scs_overlays_trampoline_lowered:
0x8: {  	[smem:$0x3FA1] =	sst s0  }
0x9: {  	[smem:$0x3FA2] =	sst s1  }
0xa: {  	[smem:$0x3FA3] =	sst s2  }
0xb: {  	[smem:$0x3FA4] =	sst s3  }
0xc: {  	[smem:$0x3FA5] =	sst s4  }
0xd: {  	[smem:$0x3FA6] =	sst s5  }
0xe: {  	[smem:$0x3FA7] =	sst s6  }
0xf: {  	[smem:$0x3FA8] =	sst s7  }
0x10: {  	[smem:$0x3FA9] =	sst s8  }
0x11: {  	[smem:$0x3FAA] =	sst s9;
	s0 =	simm.s32 @!p0 $0x0  }
0x12: {  	s1 =	sld [smem:$0x3F90];
	s0 =	simm.s32 @p0 $0x1  }
0x13: {  	[smem:$0x3FAB] =	sst s0;
	s0 =	simm.s32 @!p1 $0x0  }
0x14: {  	s2 =	sld [smem:$0x3F8F];
	s0 =	simm.s32 @p1 $0x1  }
0x15: {  	[smem:$0x3FAC] =	sst s0;
	s0 =	simm.s32 @!p2 $0x0  }
0x16: {  	s3 =	sld [smem:$0x3FDB];
	s0 =	simm.s32 @p2 $0x1  }
0x17: {  	s4 =	simm.s32 $0x1BF5;
	[smem:$0x3FAE] =	sst s0  }
0x18: {  	s0 =	sld [smem:$0x3F91];
	_ =	swait.ge [sflag:s4], $0x0  }
0x19: {  	s7 =	sld [smem:$0x3F92]  }
0x1a: {  	s8 =	sadd.s32 $0xFFFFE003, lr  }
0x1b: {  	s9 =	sadd.s32 $0xFFFFFEF7, lr;
	s5 =	simm.s32 $0xFFFFFFFF;
	p2 =	slt.u32 s8, $0xFFFFF086  }
0x1c: {  	p1 =	slt.u32 s9, $0xF7A;
	s5 =	simm.s32 @!p2 $0x0  }
0x1d: {  	s5 =	simm.s32 @p1 $0x1;
	p0 =	seq.s32 s7, s2  }
0x1e: {  	s7 =	smul.u32 @!p0 $0xF7A, s2;
	p2 =	seq.s32 @!p0 s5, $0x0  }
0x1f: {  	s9 =	smul.u32 $0xF7A, s1;
	s8 =	simm.s32 @!p0 $0x1BF5;
	p2 =	por !p2, p0  }
0x20: {  	[sflag:s8] =	ssyncset.s32 @!p0 $0xFFFFF086;
	s6 =	sadd.s32 @!p0 s3, s7;
	s7 =	simm.s32 @!p0 $0x108  }
0x21: {  	s3 =	sadd.s32 s3, s9;
	s6 =	sadd.s32 @!p0 $0x88, s6;
	s7 =	simm.s32 @p2 $0x1082  }
0x22: {  	[simem:s7], [sflag:s8] =	dma.local @!p0 [hbm:s6], $0xF7A  }
0x23: {  	s9 =	sor.u32 $0xD0000000, s2;
	s6 =	simm.s32 $0x108;
	_ =	swait.ge @!p0 [sflag:s8], $0x0  }
0x24: {  	s3 =	sadd.s32 $0x88, s3;
	s6 =	simm.s32 @!p1 $0x1082;
	[sflag:s4] =	ssyncset.s32 $0xFFFFF086  }
0x25: {  	[simem:s6], [sflag:s4] =	dma.local [hbm:s3], $0xF7A  }
0x26: {  	[smem:$0x3F92] =	sst s1;
	(tag) =	ssettag s2;
	_ =	strace s9  }
0x27: {  	s1 =	sld [smem:$0x3FA2]  }
0x28: {  	s2 =	sld [smem:$0x3FA3]  }
0x29: {  	s4 =	sld [smem:$0x3FA5]  }
0x2a: {  	p0 =	seq.s32 s5, $0x0;
	s5 =	sld [smem:$0x3FA6]  }
0x2b: {  	s6 =	sld [smem:$0x3FA7]  }
0x2c: {  	s7 =	sld [smem:$0x3FA8]  }
0x2d: {  	s3 =	simm.s32 $0x108;
	s8 =	sld [smem:$0x3FA9]  }
0x2e: {  	s3 =	simm.s32 @!p0 $0x1082;
	s9 =	sld [smem:$0x3FAA]  }
0x2f: {  	lr =	sadd.s32 s0, s3;
	s0 =	sld [smem:$0x3FA1]  }
0x30: {  	s3 =	sld [smem:$0x3FA4]  }
0x31: {  	[smem:$0x3FAD] =	sst s10  }
0x32: {  	s10 =	sld [smem:$0x3FAB];
	_ =	sdelay $0x3  }
0x33: {  	p0 =	seq.s32 s10, $0x1;
	s10 =	sld [smem:$0x3FAD];
	_ =	sdelay $0x3  }
0x34: {  	[smem:$0x3FAD] =	sst s10  }
0x35: {  	s10 =	sld [smem:$0x3FAC];
	_ =	sdelay $0x3  }
0x36: {  	p1 =	seq.s32 s10, $0x1;
	s10 =	sld [smem:$0x3FAD];
	_ =	sdelay $0x3  }
0x37: {  	[smem:$0x3FAD] =	sst s10  }
0x38: {  	s10 =	sld [smem:$0x3FAE]  }
0x39: {  	_ = 	snop;
	(pc) =	sbr.ind lr, $3  }
0x3a: {  	_ = 	snop  }
0x3b: {  	_ = 	snop  }
0x3c: {  	p2 =	seq.s32 s10, $0x1;
	s10 =	sld [smem:$0x3FAD]  }
0x3d: {  	_ =	shalt  }
0x3e: {  	_ =	shalt  }
0x3f: {  	_ =	shalt  }
0x40: {  	_ =	shalt  }
0x41: {  	_ =	shalt  }
0x42: {  	_ =	shalt  }
0x43: {  	_ =	shalt  }
0x44: {  	_ =	shalt  }
0x45: {  	_ =	shalt  }
0x46: {  	_ =	shalt  }
0x47: {  	_ =	shalt  }
0x48: {  	_ =	shalt  }
0x49: {  	_ =	shalt  }
0x4a: {  	_ =	shalt  }
0x4b: {  	_ =	shalt  }
0x4c: {  	_ =	shalt  }
0x4d: {  	_ =	shalt  }
0x4e: {  	_ =	shalt  }
0x4f: {  	_ =	shalt  }
0x50: {  	_ =	shalt  }
0x51: {  	_ =	shalt  }
0x52: {  	_ =	shalt  }
0x53: {  	_ =	shalt  }
0x54: {  	_ =	shalt  }
0x55: {  	_ =	shalt  }
0x56: {  	_ =	shalt  }
0x57: {  	_ =	shalt  }
0x58: {  	_ =	shalt  }
0x59: {  	_ =	shalt  }
0x5a: {  	_ =	shalt  }
0x5b: {  	_ =	shalt  }
0x5c: {  	_ =	shalt  }
0x5d: {  	_ =	shalt  }
0x5e: {  	_ =	shalt  }
0x5f: {  	_ =	shalt  }
0x60: {  	_ =	shalt  }
0x61: {  	_ =	shalt  }
0x62: {  	_ =	shalt  }
0x63: {  	_ =	shalt  }
0x64: {  	_ =	shalt  }
0x65: {  	_ =	shalt  }
0x66: {  	_ =	shalt  }
0x67: {  	_ =	shalt  }
0x68: {  	_ =	shalt  }
0x69: {  	_ =	shalt  }
0x6a: {  	_ =	shalt  }
0x6b: {  	_ =	shalt  }
0x6c: {  	_ =	shalt  }
0x6d: {  	_ =	shalt  }
0x6e: {  	_ =	shalt  }
0x6f: {  	_ =	shalt  }
0x70: {  	_ =	shalt  }
0x71: {  	_ =	shalt  }
0x72: {  	_ =	shalt  }
0x73: {  	_ =	shalt  }
0x74: {  	_ =	shalt  }
0x75: {  	_ =	shalt  }
0x76: {  	_ =	shalt  }
0x77: {  	_ =	shalt  }
0x78: {  	_ =	shalt  }
0x79: {  	_ =	shalt  }
0x7a: {  	_ =	shalt  }
0x7b: {  	_ =	shalt  }
0x7c: {  	_ =	shalt  }
0x7d: {  	_ =	shalt  }
0x7e: {  	_ =	shalt  }
0x7f: {  	_ =	shalt  }
0x80: {  	_ =	shalt  }
0x81: {  	_ =	shalt  }
0x82: {  	_ =	shalt  }
0x83: {  	_ =	shalt  }
0x84: {  	_ =	shalt  }
0x85: {  	_ =	shalt  }
0x86: {  	_ =	shalt  }
0x87: {  	_ =	shalt  }
.Lfunc_end0:
.L_simem_size_0:
called_computation.2_lowered:
.L_overlay_start_0:
0x88: {  	s2 =	sld [smem:$0x3FD9]  }
0x89: {  	s3 =	sld [smem:$0x3FFE];
	_ =	sdelay $0x1  }
0x8a: {  	s1 =	srdreg.scid  }
0x8b: {  	s0 =	sand.u32 $0x1, s1  }
0x8c: {  	s15 =	sshll.u32 s0, $0xA;
	s2 =	sadd.s32 s3, s2  }
0x8d: {  	s2 =	sadd.s32 s2, s15  }
0x8e: {  	[smem:$0x3FB9] =	sst s2  }
0x8f: {  	_ = 	snop  }
0x90: {  	s2 =	sld [smem:$0x3FD0];
	_ =	sdelay $0x2  }
0x91: {  	s16 =	simm.s32 $0xB;
	s4 =	simm.s32 $0x10  }
0x92: {  	[smem:s4], [sflag:s16] =	dma.local [hbm:s2], $0x1  }
0x93: {  	_ =	swait.eq [sflag:s16], $0x1  }
0x94: {  	[sflag:s16] =	ssyncset.done $0x0  }
0x95: {  	[sflag:s16] =	ssyncadd.s32 $0xFFFFFFFF  }
0x96: {  	s17 =	sld [smem:$0x10];
	(tm) =	ssettm $0x1  }
0x97: {  	s18 =	sld [smem:$0x3FFB];
	_ =	sdelay $0x3  }
0x98: {  	_ =	strace s18  }
0x99: {  	s2 =	sld [smem:$0x3FFC];
	_ =	sdelay $0x3  }
0x9a: {  	_ =	strace s2  }
0x9b: {  	s2 =	sld [smem:$0x3FFD];
	_ =	sdelay $0x3  }
0x9c: {  	_ =	strace s2  }
0x9d: {  	_ =	strace $0x8FFFFFFF  }
0x9e: {  	s19 =	sld [smem:$0x3FDB];
	_ =	sdelay $0x1  }
0x9f: {  	s20 =	simm.s32 $_scs_section_size  }
0xa0: {  	s5 =	simm.s32 $_size__tile_overlayer_lowered;
	s6 =	simm.s32 $_tile_overlayer_lowered  }
0xa1: {  	s7 =	simm.s32 $0x1BFF;
	s21 =	sshll.u32 s6, $0x1;
	s4 =	sadd.s32 s20, s19  }
0xa2: {  	s22 =	simm.s32 $0x0;
	s5 =	sshll.u32 s5, $0x1;
	s6 =	sadd.s32 s21, s4  }
0xa3: {  	[timem:s22], [sflag:s7] =	dma.local [hbm:s6], s5  }
0xa4: {  	_ =	swait.ge [sflag:s7], s5  }
0xa5: {  	s5 =	ssub.s32 $0x0, s5;
	[sflag:s7] =	ssyncset.done $0x0  }
0xa6: {  	[sflag:s7] =	ssyncadd.s32 s5;
	_ =	sdelay $0x1  }
0xa7: {  	s23 =	simm.s32 $0x1B8B  }
0xa8: {  	_ =	swait.ge [sflag:s23], $0x1  }
0xa9: {  	[sflag:s23] =	ssyncset.done $0x0  }
0xaa: {  	[sflag:s23] =	ssyncadd.s32 $0xFFFFFFFF  }
0xab: {  	s5 =	sld [smem:$0x0]  }
0xac: {  	s6 =	sand.u32 $0xFFFFFFFE, s1  }
0xad: {  	p0 =	sne.s32 s1, s6  }
0xae: {  	s6 =	sshll.u32 @p0 s6, $0xE  }
0xaf: {  	s6 =	sadd.s32 @p0 $0x11B8D, s6;
	s7 =	sshll.u32 @p0 s5, $0x11  }
0xb0: {  	s6 =	sor.u32 @p0 s7, s6  }
0xb1: {  	[sflag:s6] =	ssyncadd.remote.s32 @p0 $0x1;
	_ =	sdelay $0x1  }
0xb2: {  	s6 =	simm.s32 @p0 $0x1B8D  }
0xb3: {  	_ =	swait.eq @p0 [sflag:s6], $0x1  }
0xb4: {  	[sflag:s6] =	ssyncadd.s32 @p0 $0xFFFFFFFF  }
0xb5: {  	s7 =	sshll.u32 @!p0 s1, $0xE  }
0xb6: {  	s7 =	sor.u32 @!p0 $0x4000, s7;
	s6 =	simm.s32 @!p0 $0x1B8D  }
0xb7: {  	s5 =	sshll.u32 @!p0 s5, $0x11;
	s7 =	sadd.s32 @!p0 $0x11B8D, s7;
	_ =	swait.eq @!p0 [sflag:s6], $0x1  }
0xb8: {  	s5 =	sor.u32 @!p0 s5, s7;
	[sflag:s6] =	ssyncadd.s32 @!p0 $0xFFFFFFFF  }
0xb9: {  	s25 =	simm.s32 $0x1B8E;
	s24 =	sld [smem:$0x3FFE];
	[sflag:s5] =	ssyncadd.remote.s32 @!p0 $0x1  }
0xba: {  	s26 =	simm.s32 $execute0_lowered;
	[smem:$0x3FD2] =	sst s25  }
0xbb: {  	s6 =	sshll.u32 s26, $0x1;
	_ =	strace $0x8000004C;
	[dreg:$0x1] =	wrdreg $0xFFFFFFFF  }
0xbc: {  	s28 =	simm.s32 $_size_execute0_lowered;
	s4 =	sadd.s32 s4, s6;
	[dreg:$0x0] =	wrdreg $0x0  }
0xbd: {  	s6 =	sshll.u32 s28, $0x1;
	[dreg:$0x2] =	wrdreg s4  }
0xbe: {  	[dreg:$0x3] =	wrdreg s6  }
0xbf: {  	[dreg:$0x4] =	wrdreg $0xC0  }
0xc0: {  	_ =	task [dreg:s22], $0x5FFFF  }
0xc1: {  	[dreg:$0x1] =	wrdreg $0xFFFFFFFF  }
0xc2: {  	[dreg:$0x0] =	wrdreg $0x60  }
0xc3: {  	[dreg:$0x2] =	wrdreg s24  }
0xc4: {  	[dreg:$0x3] =	wrdreg s17  }
0xc5: {  	[dreg:$0x4] =	wrdreg $0xA8000  }
0xc6: {  	[dreg:$0x5] =	wrdreg $0xA  }
0xc7: {  	_ =	task.clear_ibuf [dreg:s22], $0x6FFFF;
	_ =	strace $0x9000004C  }
0xc8: {  	s29 =	simm.s32 $0xA;
	_ =	strace $0x8000004E  }
0xc9: {  	_ =	swait.ge [sflag:s29], $0x1  }
0xca: {  	[sflag:s29] =	ssyncadd.s32 $0xFFFFFFFF  }
0xcb: {  	_ =	strace $0x9000004E  }
0xcc: {  	_ =	sfence  }
0xcd: {  	s30 =	sld [smem:$0x0];
	_ =	sdelay $0x2  }
0xce: {  	s31 =	sshll.u32 s1, $0xD;
	s1 =	sshrl.u32 s1, $0x2  }
0xcf: {  	s4 =	sand.u32 $0x4000, s31;
	s1 =	sadd.s32 s1, s30  }
0xd0: {  	s0 =	sor.u32 s4, s0;
	s1 =	sshll.u32 s1, $0x11  }
0xd1: {  	s0 =	sor.u32 s1, s0  }
0xd2: {  	s0 =	sadd.s32 $0x8F2B, s0  }
0xd3: {  	[sflag:s0] =	ssyncadd.remote.s32 $0x1  }
0xd4: {  	_ =	sfence.sel $0xFFFF  }
0xd5: {  	[dreg:$0x0] =	wrdreg $0xFFFFFFFF;
	(pc) =	sbr.abs _section_cstart, $3  }
0xd6: {  	[dreg:$0x1] =	wrdreg $0xFFFFFFFF  }
0xd7: {  	_ =	task.clear_ibuf [dreg:s22], $0x2FFFF;
	_ =	strace $0x9FFFFFFF  }
0xd8: {  	(tm) =	ssettm $0x7FFFFFFF  }
0xd9: {  	_ =	shalt  }
tec
execute0_lowered:
.L_overlay_start_1:
0x0: {  	(tag) =	ssettag $0x1  }
0x1: {  	s4 =	rddreg [dreg:$0x0]  }
0x2: {  	s0 =	srdreg.scid;
	s5 =	rddreg [dreg:$0x1]  }
0x3: {  	s9 =	stileid.u32;
	s1 =	rddreg [dreg:$0x2]  }
0x4: {  	s2 =	simm.s32 $0x0;
	s15 =	simm.s32 $0x1;
	s16 =	simm.s32 $0x80  }
0x5: {  	s17 =	simm.s32 $0x2;
	s18 =	simm.s32 $0x2700;
	s19 =	simm.s32 $0x2780  }
0x6: {  	s20 =	simm.s32 $0x0;
	s3 =	sand.u32 $0x1, s0;
	s0 =	rddreg [dreg:$0x3]  }
0x7: {  	s29 =	sshll.u32 s9, $0x1;
	[smem:$0x7FF] =	sst s2;
	s11 =	smul.u32 $0xA0, s9  }
0x8: {  	s12 =	sadd.s32 $0x1448400, s4;
	p0 =	sne.s32 s9, $0x0;
	s6 =	smul.u32 $0x27180, s3  }
0x9: {  	s7 =	sor.u32 s3, s29;
	_ =	strace $0x8000004D;
	s14 =	smul.u32 $0x50, s3  }
0xa: {  	s10 =	ssub.s32 $0x2, s3;
	s3 =	sadd.s32 $0xA0E600, s4;
	s8 =	smul.u32 $0x500, s7  }
0xb: {  	s7 =	smul.u32 $0x28000, s7;
	s13 =	sshrl.u32 s10, $0x1;
	s6 =	sadd.s32 s6, s4  }
0xc: {  	s10 =	ssub.s32 s10, s13;
	s30 =	sadd.s32 s14, s11;
	s11 =	sshrl.u32 @!p0 s1, $0x3  }
0xd: {  	s13 =	simm.s32 $0x2800;
	s14 =	simm.s32 $0x6800;
	s4 =	sadd.s32 s5, s8  }
0xe: {  	s5 =	sadd.s32 s12, s7;
	s6 =	sadd.s32 $0xA84400, s6;
	s31 =	sshll.u32 s30, $0xB  }
0xf: {  	s7 =	smax.u32 s10, $0x1;
	s8 =	sadd.s32 $0x27800, s5;
	s10 =	sadd.s32 s31, s12  }
0x10: {  	s12 =	simm.s32 $0x3;
	s9 =	sadd.s32 $0x1000, s10;
	s10 =	sadd.s32 $0x800, s10  }
.LBB2_1:
0x11: {  	s21 =	simm.s32 @!p0 $0x1C03  }
0x12: {  	[spmem:s11], [sflag:s21] =	dma.local @!p0 [hbm:s3], $0x27180  }
0x13: {  	s21 =	simm.s32 @!p0 $0x3  }
0x14: {  	_ =	swait.ge @!p0 [sflag:s21], $0x27180  }
0x15: {  	[sflag:s21] =	ssyncset.done @!p0 $0x0  }
0x16: {  	[sflag:s21] =	ssyncadd.s32 @!p0 $0xFFFD8E80  }
0x17: {  	[tilespmem:s2], [sflag:$0x3] =	stream.linear.gather [hbm4b:s4+s2], $0x2800, $0x38;
	[tilespmem:$0x1E0C0] =	vst v63  }
0x18: {  	_ =	swait.ge [sflag:s12], $0x2800  }
0x19: {  	[sflag:s12] =	ssyncset.done $0x0  }
0x1a: {  	[sflag:s12] =	ssyncadd.s32 $0xFFFFD800  }
0x1b: {  	[bflag:$0x0] =	sbarrier.arrive $0xFFFF  }
0x1c: {  	[tilespmem:s13], [sflag:$0x1] =	stream.linear.gather [hbm4b:s5+s2], $0x4000, $0x38;
	[tilespmem:$0x1E0C0] =	vst v63  }
0x1d: {  	s29 =	sadd.s32 $0x0, s10  }
0x1e: {  	[tilespmem:s14], [sflag:$0x2] =	stream.linear.gather [hbm4b:s29+s2], $0x4000, $0x38;
	[tilespmem:$0x1E0C0] =	vst v63  }
0x1f: {  	_ =	swait.ge [sflag:s15], $0x4000  }
0x20: {  	[sflag:s15] =	ssyncset.done $0x0  }
0x21: {  	[sflag:s15] =	ssyncadd.s32 $0xFFFFC000  }
0x22: {  	[spmem:s1] =	stream.indirect.scatter.add.f32 [tilespmem:s13], [sflag:$0x3], $0x80, s2, s16, $0xb8;
	[tilespmem:$0x1E0C0] =	vst v63  }
0x23: {  	_ =	swait.ge [sflag:s12], $0x4000  }
0x24: {  	[sflag:s12] =	ssyncset.done $0x0  }
0x25: {  	s30 =	sadd.s32 $0x0, s9;
	[sflag:s12] =	ssyncadd.s32 $0xFFFFC000  }
0x26: {  	[tilespmem:s13], [sflag:$0x1] =	stream.linear.gather [hbm4b:s30+s2], $0x4000, $0x38;
	[tilespmem:$0x1E0C0] =	vst v63  }
0x27: {  	_ =	swait.ge [sflag:s17], $0x4000  }
0x28: {  	[sflag:s17] =	ssyncset.done $0x0  }
0x29: {  	s31 =	simm.s32 $0x80;
	[sflag:s17] =	ssyncadd.s32 $0xFFFFC000  }
0x2a: {  	[spmem:s1] =	stream.indirect.scatter.add.f32 [tilespmem:s14], [sflag:$0x3], $0x80, s31, s16, $0xb8;
	[tilespmem:$0x1E0C0] =	vst v63  }
0x2b: {  	s22 =	simm.s32 $0x1000;
	_ =	swait.ge [sflag:s12], $0x4000  }
0x2c: {  	s23 =	simm.s32 $0x2000;
	s21 =	simm.s32 $0x100;
	[sflag:s12] =	ssyncset.done $0x0  }
.LBB2_2:
0x2d: {  	s24 =	sadd.s32 s22, s10  }
0x2e: {  	[sflag:s12] =	ssyncadd.s32 $0xFFFFC000;
	s25 =	smov.u32 s23;
	s26 =	sadd.s32 $0x1000, s23  }
0x2f: {  	[tilespmem:s14], [sflag:$0x2] =	stream.linear.gather [hbm4b:s24+s2], $0x4000, $0x38;
	[tilespmem:$0x1E0C0] =	vst v63  }
0x30: {  	p1 =	sne.s32 s23, $0x26000;
	_ =	swait.ge [sflag:s15], $0x4000  }
0x31: {  	[sflag:s15] =	ssyncset.done $0x0  }
0x32: {  	[sflag:s15] =	ssyncadd.s32 $0xFFFFC000  }
0x33: {  	[spmem:s1] =	stream.indirect.scatter.add.f32 [tilespmem:s13], [sflag:$0x3], $0x80, s21, s16, $0xb8;
	[tilespmem:$0x1E0C0] =	vst v63  }
0x34: {  	_ =	swait.ge [sflag:s12], $0x4000  }
0x35: {  	[sflag:s12] =	ssyncset.done $0x0  }
0x36: {  	s23 =	sadd.s32 s22, s9;
	s22 =	smov.u32 s25;
	[sflag:s12] =	ssyncadd.s32 $0xFFFFC000  }
0x37: {  	[tilespmem:s13], [sflag:$0x1] =	stream.linear.gather [hbm4b:s23+s2], $0x4000, $0x38;
	[tilespmem:$0x1E0C0] =	vst v63  }
0x38: {  	_ =	swait.ge [sflag:s17], $0x4000  }
.Ltmp0:
0x39: {  	[sflag:s17] =	ssyncset.done $0x0;
	(pc) =	sbr.rel @p1 .LBB2_2-.Ltmp0, $4  }
0x3a: {  	s23 =	sadd.s32 $0x80, s21;
	[sflag:s17] =	ssyncadd.s32 $0xFFFFC000  }
0x3b: {  	[spmem:s1] =	stream.indirect.scatter.add.f32 [tilespmem:s14], [sflag:$0x3], $0x80, s23, s16, $0xb8;
	[tilespmem:$0x1E0C0] =	vst v63  }
0x3c: {  	_ =	swait.ge [sflag:s12], $0x4000  }
0x3d: {  	s21 =	sadd.s32 $0x100, s21;
	s23 =	smov.u32 s26;
	[sflag:s12] =	ssyncset.done $0x0  }
0x3e: {  	s23 =	sadd.s32 s22, s10;
	[sflag:s12] =	ssyncadd.s32 $0xFFFFC000  }
0x3f: {  	[tilespmem:s14], [sflag:$0x2] =	stream.linear.gather [hbm4b:s23+s2], $0x4000, $0x38;
	[tilespmem:$0x1E0C0] =	vst v63  }
0x40: {  	_ =	swait.ge [sflag:s15], $0x4000  }
0x41: {  	[sflag:s15] =	ssyncset.done $0x0  }
0x42: {  	[sflag:s15] =	ssyncadd.s32 $0xFFFFC000  }
0x43: {  	[spmem:s1] =	stream.indirect.scatter.add.f32 [tilespmem:s13], [sflag:$0x3], $0x80, s21, s16, $0xb8;
	[tilespmem:$0x1E0C0] =	vst v63  }
0x44: {  	_ =	swait.ge [sflag:s12], $0x4000  }
0x45: {  	[sflag:s12] =	ssyncset.done $0x0  }
0x46: {  	s30 =	sadd.s32 s22, s9;
	[sflag:s12] =	ssyncadd.s32 $0xFFFFC000  }
0x47: {  	[tilespmem:s13], [sflag:$0x1] =	stream.linear.gather [hbm4b:s30+s2], $0x4000, $0x38;
	[tilespmem:$0x1E0C0] =	vst v63  }
0x48: {  	_ =	swait.ge [sflag:s17], $0x4000  }
0x49: {  	[sflag:s17] =	ssyncset.done $0x0  }
0x4a: {  	s31 =	sadd.s32 $0x80, s21;
	[sflag:s17] =	ssyncadd.s32 $0xFFFFC000  }
0x4b: {  	[spmem:s1] =	stream.indirect.scatter.add.f32 [tilespmem:s14], [sflag:$0x3], $0x80, s31, s16, $0xb8;
	[tilespmem:$0x1E0C0] =	vst v63  }
0x4c: {  	_ =	swait.ge [sflag:s12], $0x4000  }
0x4d: {  	[sflag:s12] =	ssyncset.done $0x0  }
0x4e: {  	[sflag:s12] =	ssyncadd.s32 $0xFFFFC000  }
0x4f: {  	[tilespmem:s14], [sflag:$0x2] =	stream.linear.gather [hbm4b:s8+s2], $0x4000, $0x38;
	[tilespmem:$0x1E0C0] =	vst v63  }
0x50: {  	_ =	swait.ge [sflag:s15], $0x4000  }
0x51: {  	[sflag:s15] =	ssyncset.done $0x0  }
0x52: {  	[sflag:s15] =	ssyncadd.s32 $0xFFFFC000  }
0x53: {  	[spmem:s1] =	stream.indirect.scatter.add.f32 [tilespmem:s13], [sflag:$0x3], $0x80, s18, s16, $0xb8;
	[tilespmem:$0x1E0C0] =	vst v63  }
0x54: {  	_ =	swait.ge [sflag:s12], $0x4000  }
0x55: {  	[sflag:s12] =	ssyncset.done $0x0  }
0x56: {  	[sflag:s12] =	ssyncadd.s32 $0xFFFFC000  }
0x57: {  	_ =	swait.ge [sflag:s17], $0x4000  }
0x58: {  	[sflag:s17] =	ssyncset.done $0x0  }
0x59: {  	[sflag:s17] =	ssyncadd.s32 $0xFFFFC000  }
0x5a: {  	[spmem:s1] =	stream.indirect.scatter.add.f32 [tilespmem:s14], [sflag:$0x3], $0x80, s19, s16, $0xb8;
	[tilespmem:$0x1E0C0] =	vst v63  }
0x5b: {  	_ =	swait.ge [sflag:s12], $0x4000  }
0x5c: {  	[sflag:s12] =	ssyncset.done $0x0  }
0x5d: {  	s20 =	sadd.s32 $0x1, s20;
	[sflag:s12] =	ssyncadd.s32 $0xFFFFC000  }
0x5e: {  	p1 =	sne.s32 s20, s7;
	s21 =	simm.s32 @!p0 $0x1C03;
	[bflag:$0x0] =	sbarrier.arrive $0xFFFF  }
0x5f: {  	[hbm:s6], [sflag:s21] =	dma.local @!p0 [spmem:s11], $0x27180  }
.Ltmp1:
0x60: {  	_ = 	snop;
	(pc) =	sbr.rel @p1 .LBB2_1-.Ltmp1, $4  }
0x61: {  	s21 =	simm.s32 @!p0 $0x3  }
0x62: {  	_ =	swait.ge @!p0 [sflag:s21], $0x27180  }
0x63: {  	[sflag:s21] =	ssyncset.done @!p0 $0x0  }
0x64: {  	[sflag:s21] =	ssyncadd.s32 @!p0 $0xFFFD8E80  }
0x65: {  	_ =	sfence.sel $0x180000  }
0x66: {  	[bflag:$0x0] =	sbarrier.arrive $0xFFFF  }
0x67: {  	_ =	strace $0x9000004D  }
0x68: {  	s0 =	sadd.s32 @!p0 $0x100000, s0;
	[bflag:$0x2] =	sbarrier.arrive $0xFFFF  }
0x69: {  	[sflag:s0] =	ssyncadd.tile.s32 @!p0 $0x1;
	_ =	shalt  }
.Lfunc_end2:
_tile_overlayer_lowered:
.L_overlay_start_2:
0x6a: {  	(tag) =	ssettag $0x2  }
0x6b: {  	s0 =	rddreg [dreg:$0x0];
	s2 =	stileid.u32  }
0x6c: {  	s1 =	rddreg [dreg:$0x1];
	p0 =	sne.s32 s2, $0x0  }
0x6d: {  	s3 =	rddreg [dreg:$0x2];
	[bflag:$0x3] =	sbarrier.arrive $0xFFFF;
	s2 =	simm.s32 @!p0 $0x1C03  }
0x6e: {  	[timem:s3], [sflag:s2] =	dma.local @!p0 [hbm:s0], s1  }
0x6f: {  	s0 =	simm.s32 @!p0 $0x3  }
0x70: {  	_ =	swait.ge @!p0 [sflag:s0], s1  }
0x71: {  	s1 =	ssub.s32 @!p0 $0x0, s1;
	[sflag:s0] =	ssyncset.done @!p0 $0x0  }
0x72: {  	[sflag:s0] =	ssyncadd.s32 @!p0 s1  }
0x73: {  	[bflag:$0x3] =	sbarrier.arrive $0xFFFF  }
0x74: {  	_ =	shalt  }

// kernel: kernel.7.cloned.1.call-start
scs
__scs_entry_jumppad:
0x0: {  	(pc) =	sbr.rel $0x88, $3  }
0x1: {  	(tag) =	ssettag $0x0;
	lr =	simm.s32 $0x1  }
0x2: {  	[smem:$0x3F92] =	sst lr;
	_ =	strace $0xD0000000  }
0x3: {  	_ = 	snop  }
0x4: {  	_ = 	snop  }
0x5: {  	_ = 	snop  }
0x6: {  	_ = 	snop  }
0x7: {  	_ = 	snop  }
__scs_overlays_trampoline_lowered:
0x8: {  	[smem:$0x3FA1] =	sst s0  }
0x9: {  	[smem:$0x3FA2] =	sst s1  }
0xa: {  	[smem:$0x3FA3] =	sst s2  }
0xb: {  	[smem:$0x3FA4] =	sst s3  }
0xc: {  	[smem:$0x3FA5] =	sst s4  }
0xd: {  	[smem:$0x3FA6] =	sst s5  }
0xe: {  	[smem:$0x3FA7] =	sst s6  }
0xf: {  	[smem:$0x3FA8] =	sst s7  }
0x10: {  	[smem:$0x3FA9] =	sst s8  }
0x11: {  	[smem:$0x3FAA] =	sst s9;
	s0 =	simm.s32 @!p0 $0x0  }
0x12: {  	s1 =	sld [smem:$0x3F90];
	s0 =	simm.s32 @p0 $0x1  }
0x13: {  	[smem:$0x3FAB] =	sst s0;
	s0 =	simm.s32 @!p1 $0x0  }
0x14: {  	s2 =	sld [smem:$0x3F8F];
	s0 =	simm.s32 @p1 $0x1  }
0x15: {  	[smem:$0x3FAC] =	sst s0;
	s0 =	simm.s32 @!p2 $0x0  }
0x16: {  	s3 =	sld [smem:$0x3FDB];
	s0 =	simm.s32 @p2 $0x1  }
0x17: {  	s4 =	simm.s32 $0x1BF5;
	[smem:$0x3FAE] =	sst s0  }
0x18: {  	s0 =	sld [smem:$0x3F91];
	_ =	swait.ge [sflag:s4], $0x0  }
0x19: {  	s7 =	sld [smem:$0x3F92]  }
0x1a: {  	s8 =	sadd.s32 $0xFFFFE003, lr  }
0x1b: {  	s9 =	sadd.s32 $0xFFFFFEF7, lr;
	s5 =	simm.s32 $0xFFFFFFFF;
	p2 =	slt.u32 s8, $0xFFFFF086  }
0x1c: {  	p1 =	slt.u32 s9, $0xF7A;
	s5 =	simm.s32 @!p2 $0x0  }
0x1d: {  	s5 =	simm.s32 @p1 $0x1;
	p0 =	seq.s32 s7, s2  }
0x1e: {  	s7 =	smul.u32 @!p0 $0xF7A, s2;
	p2 =	seq.s32 @!p0 s5, $0x0  }
0x1f: {  	s9 =	smul.u32 $0xF7A, s1;
	s8 =	simm.s32 @!p0 $0x1BF5;
	p2 =	por !p2, p0  }
0x20: {  	[sflag:s8] =	ssyncset.s32 @!p0 $0xFFFFF086;
	s6 =	sadd.s32 @!p0 s3, s7;
	s7 =	simm.s32 @!p0 $0x108  }
0x21: {  	s3 =	sadd.s32 s3, s9;
	s6 =	sadd.s32 @!p0 $0x88, s6;
	s7 =	simm.s32 @p2 $0x1082  }
0x22: {  	[simem:s7], [sflag:s8] =	dma.local @!p0 [hbm:s6], $0xF7A  }
0x23: {  	s9 =	sor.u32 $0xD0000000, s2;
	s6 =	simm.s32 $0x108;
	_ =	swait.ge @!p0 [sflag:s8], $0x0  }
0x24: {  	s3 =	sadd.s32 $0x88, s3;
	s6 =	simm.s32 @!p1 $0x1082;
	[sflag:s4] =	ssyncset.s32 $0xFFFFF086  }
0x25: {  	[simem:s6], [sflag:s4] =	dma.local [hbm:s3], $0xF7A  }
0x26: {  	[smem:$0x3F92] =	sst s1;
	(tag) =	ssettag s2;
	_ =	strace s9  }
0x27: {  	s1 =	sld [smem:$0x3FA2]  }
0x28: {  	s2 =	sld [smem:$0x3FA3]  }
0x29: {  	s4 =	sld [smem:$0x3FA5]  }
0x2a: {  	p0 =	seq.s32 s5, $0x0;
	s5 =	sld [smem:$0x3FA6]  }
0x2b: {  	s6 =	sld [smem:$0x3FA7]  }
0x2c: {  	s7 =	sld [smem:$0x3FA8]  }
0x2d: {  	s3 =	simm.s32 $0x108;
	s8 =	sld [smem:$0x3FA9]  }
0x2e: {  	s3 =	simm.s32 @!p0 $0x1082;
	s9 =	sld [smem:$0x3FAA]  }
0x2f: {  	lr =	sadd.s32 s0, s3;
	s0 =	sld [smem:$0x3FA1]  }
0x30: {  	s3 =	sld [smem:$0x3FA4]  }
0x31: {  	[smem:$0x3FAD] =	sst s10  }
0x32: {  	s10 =	sld [smem:$0x3FAB];
	_ =	sdelay $0x3  }
0x33: {  	p0 =	seq.s32 s10, $0x1;
	s10 =	sld [smem:$0x3FAD];
	_ =	sdelay $0x3  }
0x34: {  	[smem:$0x3FAD] =	sst s10  }
0x35: {  	s10 =	sld [smem:$0x3FAC];
	_ =	sdelay $0x3  }
0x36: {  	p1 =	seq.s32 s10, $0x1;
	s10 =	sld [smem:$0x3FAD];
	_ =	sdelay $0x3  }
0x37: {  	[smem:$0x3FAD] =	sst s10  }
0x38: {  	s10 =	sld [smem:$0x3FAE]  }
0x39: {  	_ = 	snop;
	(pc) =	sbr.ind lr, $3  }
0x3a: {  	_ = 	snop  }
0x3b: {  	_ = 	snop  }
0x3c: {  	p2 =	seq.s32 s10, $0x1;
	s10 =	sld [smem:$0x3FAD]  }
0x3d: {  	_ =	shalt  }
0x3e: {  	_ =	shalt  }
0x3f: {  	_ =	shalt  }
0x40: {  	_ =	shalt  }
0x41: {  	_ =	shalt  }
0x42: {  	_ =	shalt  }
0x43: {  	_ =	shalt  }
0x44: {  	_ =	shalt  }
0x45: {  	_ =	shalt  }
0x46: {  	_ =	shalt  }
0x47: {  	_ =	shalt  }
0x48: {  	_ =	shalt  }
0x49: {  	_ =	shalt  }
0x4a: {  	_ =	shalt  }
0x4b: {  	_ =	shalt  }
0x4c: {  	_ =	shalt  }
0x4d: {  	_ =	shalt  }
0x4e: {  	_ =	shalt  }
0x4f: {  	_ =	shalt  }
0x50: {  	_ =	shalt  }
0x51: {  	_ =	shalt  }
0x52: {  	_ =	shalt  }
0x53: {  	_ =	shalt  }
0x54: {  	_ =	shalt  }
0x55: {  	_ =	shalt  }
0x56: {  	_ =	shalt  }
0x57: {  	_ =	shalt  }
0x58: {  	_ =	shalt  }
0x59: {  	_ =	shalt  }
0x5a: {  	_ =	shalt  }
0x5b: {  	_ =	shalt  }
0x5c: {  	_ =	shalt  }
0x5d: {  	_ =	shalt  }
0x5e: {  	_ =	shalt  }
0x5f: {  	_ =	shalt  }
0x60: {  	_ =	shalt  }
0x61: {  	_ =	shalt  }
0x62: {  	_ =	shalt  }
0x63: {  	_ =	shalt  }
0x64: {  	_ =	shalt  }
0x65: {  	_ =	shalt  }
0x66: {  	_ =	shalt  }
0x67: {  	_ =	shalt  }
0x68: {  	_ =	shalt  }
0x69: {  	_ =	shalt  }
0x6a: {  	_ =	shalt  }
0x6b: {  	_ =	shalt  }
0x6c: {  	_ =	shalt  }
0x6d: {  	_ =	shalt  }
0x6e: {  	_ =	shalt  }
0x6f: {  	_ =	shalt  }
0x70: {  	_ =	shalt  }
0x71: {  	_ =	shalt  }
0x72: {  	_ =	shalt  }
0x73: {  	_ =	shalt  }
0x74: {  	_ =	shalt  }
0x75: {  	_ =	shalt  }
0x76: {  	_ =	shalt  }
0x77: {  	_ =	shalt  }
0x78: {  	_ =	shalt  }
0x79: {  	_ =	shalt  }
0x7a: {  	_ =	shalt  }
0x7b: {  	_ =	shalt  }
0x7c: {  	_ =	shalt  }
0x7d: {  	_ =	shalt  }
0x7e: {  	_ =	shalt  }
0x7f: {  	_ =	shalt  }
0x80: {  	_ =	shalt  }
0x81: {  	_ =	shalt  }
0x82: {  	_ =	shalt  }
0x83: {  	_ =	shalt  }
0x84: {  	_ =	shalt  }
0x85: {  	_ =	shalt  }
0x86: {  	_ =	shalt  }
0x87: {  	_ =	shalt  }
.Lfunc_end0:
.L_simem_size_0:
called_computation_lowered:
.L_overlay_start_0:
0x88: {  	s2 =	sld [smem:$0x3FD9]  }
0x89: {  	s3 =	sld [smem:$0x3FFE];
	_ =	sdelay $0x1  }
0x8a: {  	s1 =	srdreg.scid  }
0x8b: {  	s0 =	sand.u32 $0x1, s1  }
0x8c: {  	s14 =	sshll.u32 s0, $0xA;
	s2 =	sadd.s32 s3, s2  }
0x8d: {  	s2 =	sadd.s32 s2, s14  }
0x8e: {  	[smem:$0x3FB9] =	sst s2  }
0x8f: {  	_ = 	snop  }
0x90: {  	s2 =	sld [smem:$0x3FD0];
	_ =	sdelay $0x2  }
0x91: {  	s4 =	simm.s32 $0xB;
	s5 =	simm.s32 $0x10;
	s15 =	sld [smem:$0x3FC9]  }
0x92: {  	[smem:s5], [sflag:s4] =	dma.local [hbm:s2], $0x1  }
0x93: {  	_ =	swait.eq [sflag:s4], $0x1  }
0x94: {  	[sflag:s4] =	ssyncset.done $0x0  }
0x95: {  	[sflag:s4] =	ssyncadd.s32 $0xFFFFFFFF  }
0x96: {  	s16 =	sld [smem:$0x11];
	(tm) =	ssettm $0x1  }
0x97: {  	s17 =	sld [smem:$0x3FFB];
	_ =	sdelay $0x3  }
0x98: {  	_ =	strace s17  }
0x99: {  	s4 =	sld [smem:$0x3FFC];
	_ =	sdelay $0x3  }
0x9a: {  	_ =	strace s4  }
0x9b: {  	s4 =	sld [smem:$0x3FFD];
	_ =	sdelay $0x3  }
0x9c: {  	_ =	strace s4  }
0x9d: {  	_ =	strace $0x8FFFFFFF  }
0x9e: {  	s18 =	sld [smem:$0x3FDB];
	_ =	sdelay $0x1  }
0x9f: {  	s19 =	simm.s32 $_scs_section_size  }
0xa0: {  	s6 =	simm.s32 $_size__tile_overlayer_lowered;
	s7 =	simm.s32 $_tile_overlayer_lowered  }
0xa1: {  	s22 =	simm.s32 $0x1BFF;
	s21 =	sshll.u32 s7, $0x1;
	s4 =	sadd.s32 s19, s18  }
0xa2: {  	s8 =	simm.s32 $0x0;
	s20 =	sshll.u32 s6, $0x1;
	s6 =	sadd.s32 s21, s4  }
0xa3: {  	[timem:s8], [sflag:s22] =	dma.local [hbm:s6], s20  }
0xa4: {  	_ =	swait.ge [sflag:s22], s20  }
0xa5: {  	s5 =	ssub.s32 $0x0, s20;
	[sflag:s22] =	ssyncset.done $0x0  }
0xa6: {  	[sflag:s22] =	ssyncadd.s32 s5;
	_ =	sdelay $0x1  }
0xa7: {  	s23 =	simm.s32 $0x1B8B  }
0xa8: {  	_ =	swait.ge [sflag:s23], $0x1  }
0xa9: {  	[sflag:s23] =	ssyncset.done $0x0  }
0xaa: {  	s25 =	simm.s32 $0x1B8E;
	s24 =	sld [smem:$0x3FFE];
	[sflag:s23] =	ssyncadd.s32 $0xFFFFFFFF  }
0xab: {  	s26 =	simm.s32 $execute0_lowered;
	[smem:$0x3FD2] =	sst s25  }
0xac: {  	s6 =	sshll.u32 s26, $0x1;
	_ =	strace $0x80000046;
	[dreg:$0x1] =	wrdreg $0xFFFFFFFF  }
0xad: {  	s28 =	simm.s32 $_size_execute0_lowered;
	s4 =	sadd.s32 s4, s6;
	[dreg:$0x0] =	wrdreg $0x0  }
0xae: {  	s6 =	sshll.u32 s28, $0x1;
	[dreg:$0x2] =	wrdreg s4  }
0xaf: {  	[dreg:$0x3] =	wrdreg s6  }
0xb0: {  	[dreg:$0x4] =	wrdreg $0xC0  }
0xb1: {  	_ =	task [dreg:s8], $0x5FFFF  }
0xb2: {  	[dreg:$0x1] =	wrdreg $0xFFFFFFFF  }
0xb3: {  	[dreg:$0x0] =	wrdreg $0x60  }
0xb4: {  	[dreg:$0x2] =	wrdreg s15  }
0xb5: {  	[dreg:$0x3] =	wrdreg s24  }
0xb6: {  	[dreg:$0x4] =	wrdreg s16  }
0xb7: {  	[dreg:$0x5] =	wrdreg $0xA8000  }
0xb8: {  	[dreg:$0x6] =	wrdreg $0xA  }
0xb9: {  	_ =	task.clear_ibuf [dreg:s8], $0x7FFFF;
	_ =	strace $0x90000046  }
0xba: {  	s29 =	simm.s32 $0xA;
	_ =	strace $0x80000048  }
0xbb: {  	_ =	swait.ge [sflag:s29], $0x1  }
0xbc: {  	[sflag:s29] =	ssyncadd.s32 $0xFFFFFFFF  }
0xbd: {  	_ =	strace $0x90000048  }
0xbe: {  	_ =	sfence  }
0xbf: {  	s30 =	sld [smem:$0x0];
	_ =	sdelay $0x2  }
0xc0: {  	s31 =	sshll.u32 s1, $0xD;
	s1 =	sshrl.u32 s1, $0x2  }
0xc1: {  	s3 =	sand.u32 $0x4000, s31;
	s1 =	sadd.s32 s1, s30  }
0xc2: {  	s0 =	sor.u32 s3, s0;
	s1 =	sshll.u32 s1, $0x11  }
0xc3: {  	s0 =	sor.u32 s1, s0  }
0xc4: {  	s0 =	sadd.s32 $0x8F2B, s0  }
0xc5: {  	[sflag:s0] =	ssyncadd.remote.s32 $0x1  }
0xc6: {  	_ =	sfence.sel $0xFFFF  }
0xc7: {  	[dreg:$0x0] =	wrdreg $0xFFFFFFFF;
	(pc) =	sbr.abs _section_cstart, $3  }
0xc8: {  	[dreg:$0x1] =	wrdreg $0xFFFFFFFF  }
0xc9: {  	_ =	task.clear_ibuf [dreg:s8], $0x2FFFF;
	_ =	strace $0x9FFFFFFF  }
0xca: {  	(tm) =	ssettm $0x7FFFFFFF  }
0xcb: {  	_ =	shalt  }
tec
execute0_lowered:
.L_overlay_start_1:
0x0: {  	(tag) =	ssettag $0x1  }
0x1: {  	s0 =	rddreg [dreg:$0x0]  }
0x2: {  	s4 =	rddreg [dreg:$0x1]  }
0x3: {  	s5 =	rddreg [dreg:$0x2]  }
0x4: {  	s1 =	srdreg.scid;
	s14 =	stileid.u32  }
0x5: {  	s2 =	rddreg [dreg:$0x3];
	s3 =	simm.s32 $0x0;
	s19 =	simm.s32 $0x6800  }
0x6: {  	s20 =	simm.s32 $0x1;
	s21 =	simm.s32 $0x2;
	s22 =	simm.s32 $0x3  }
0x7: {  	s23 =	simm.s32 $0x4;
	s24 =	simm.s32 $0x2780;
	s10 =	sand.u32 $0x1, s1  }
0x8: {  	s6 =	sshll.u32 s14, $0x1;
	s1 =	rddreg [dreg:$0x4];
	s28 =	smul.u32 $0xA0, s14  }
0x9: {  	[smem:$0x7FF] =	sst s3;
	s11 =	sadd.s32 $0xE600, s4;
	s17 =	smul.u32 $0x50000, s14  }
0xa: {  	s15 =	sadd.s32 $0x50E600, s4;
	p0 =	sne.s32 s14, $0x0;
	s16 =	smul.u32 $0x50, s10  }
0xb: {  	s6 =	sor.u32 s10, s6;
	s9 =	ssub.s32 $0x2, s10;
	s30 =	smul.u32 $0x28000, s10  }
0xc: {  	_ =	strace $0x80000047;
	s7 =	smul.u32 $0x500, s6;
	s25 =	sshrl.u32 s9, $0x1  }
0xd: {  	s12 =	smul.u32 $0x28000, s6;
	s18 =	sadd.s32 s17, s11;
	s26 =	ssub.s32 s9, s25  }
0xe: {  	s16 =	sadd.s32 s16, s28;
	s25 =	simm.s32 $0x0;
	s8 =	sadd.s32 s7, s4  }
0xf: {  	s5 =	sadd.s32 s5, s7;
	s13 =	sadd.s32 $0x27000, s12;
	s6 =	smax.u32 s26, $0x1  }
0x10: {  	s12 =	sadd.s32 $0x27800, s12;
	s29 =	sshll.u32 s16, $0xB;
	s16 =	simm.s32 $0x5  }
0x11: {  	s4 =	sadd.s32 $0x4600, s8;
	s7 =	sadd.s32 s11, s13;
	s8 =	sadd.s32 s11, s12  }
0x12: {  	s9 =	sadd.s32 s15, s13;
	s10 =	sadd.s32 s15, s12;
	s31 =	sadd.s32 s29, s11  }
0x13: {  	s12 =	sadd.s32 s30, s18;
	s13 =	sadd.s32 s29, s15;
	s15 =	sadd.s32 s17, s15  }
0x14: {  	s17 =	simm.s32 $0x80;
	s18 =	simm.s32 $0x2800;
	s11 =	sadd.s32 $0x800, s31  }
0x15: {  	s13 =	sadd.s32 $0x800, s13;
	s14 =	sadd.s32 s30, s15;
	s15 =	sshrl.u32 @!p0 s2, $0x3  }
.LBB2_1:
0x16: {  	s26 =	simm.s32 @!p0 $0x1C05  }
0x17: {  	[spmem:s15], [sflag:s26] =	dma.local @!p0 [hbm:s0], $0x27100  }
0x18: {  	s26 =	simm.s32 @!p0 $0x5  }
0x19: {  	_ =	swait.ge @!p0 [sflag:s26], $0x27100  }
0x1a: {  	[sflag:s26] =	ssyncset.done @!p0 $0x0  }
0x1b: {  	[sflag:s26] =	ssyncadd.s32 @!p0 $0xFFFD8F00  }
0x1c: {  	[tilespmem:s3], [sflag:$0x5] =	stream.linear.gather [hbm4b:s4+s3], $0x2800, $0x38;
	[tilespmem:$0x1E080] =	vst v63  }
0x1d: {  	_ =	swait.ge [sflag:s16], $0x2800  }
0x1e: {  	[sflag:s16] =	ssyncset.done $0x0  }
0x1f: {  	[sflag:s16] =	ssyncadd.s32 $0xFFFFD800  }
0x20: {  	[bflag:$0x0] =	sbarrier.arrive $0xFFFF  }
0x21: {  	[tilespmem:s18], [sflag:$0x1] =	stream.indirect.gather [spmem:s2], $0x80, s3, s17, $0xb8;
	[tilespmem:$0x1E080] =	vst v63  }
0x22: {  	s30 =	simm.s32 $0x80  }
0x23: {  	[tilespmem:s19], [sflag:$0x2] =	stream.indirect.gather [spmem:s2], $0x80, s30, s17, $0xb8;
	[tilespmem:$0x1E080] =	vst v63  }
0x24: {  	_ =	swait.ge [sflag:s20], $0x4000  }
0x25: {  	[sflag:s20] =	ssyncset.done $0x0  }
0x26: {  	s31 =	sadd.s32 $0x0, s12;
	[sflag:s20] =	ssyncadd.s32 $0xFFFFC000  }
0x27: {  	[hbm4b:s31+s3] =	stream.linear.scatter [tilespmem:s18], [sflag:$0x3], $0x4000, $0x38;
	[tilespmem:$0x1E080] =	vst v63  }
0x28: {  	_ =	swait.ge [sflag:s21], $0x4000  }
0x29: {  	[sflag:s21] =	ssyncset.done $0x0  }
0x2a: {  	s30 =	sadd.s32 $0x0, s11;
	[sflag:s21] =	ssyncadd.s32 $0xFFFFC000  }
0x2b: {  	[hbm4b:s30+s3] =	stream.linear.scatter [tilespmem:s19], [sflag:$0x4], $0x4000, $0x38;
	[tilespmem:$0x1E080] =	vst v63  }
0x2c: {  	_ =	swait.ge [sflag:s22], $0x4000  }
0x2d: {  	[sflag:s22] =	ssyncset.done $0x0  }
0x2e: {  	s31 =	simm.s32 $0x100;
	[sflag:s22] =	ssyncadd.s32 $0xFFFFC000  }
0x2f: {  	[tilespmem:s18], [sflag:$0x1] =	stream.indirect.gather [spmem:s2], $0x80, s31, s17, $0xb8;
	[tilespmem:$0x1E080] =	vst v63  }
0x30: {  	s28 =	simm.s32 $0x1000;
	_ =	swait.ge [sflag:s23], $0x4000  }
0x31: {  	s29 =	simm.s32 $0x2000;
	s26 =	simm.s32 $0x200;
	[sflag:s23] =	ssyncset.done $0x0  }
.LBB2_2:
0x32: {  	p1 =	sne.s32 s29, $0x26000;
	s30 =	sadd.s32 $0xFFFFFF80, s26;
	[sflag:s23] =	ssyncadd.s32 $0xFFFFC000  }
0x33: {  	[tilespmem:s19], [sflag:$0x2] =	stream.indirect.gather [spmem:s2], $0x80, s30, s17, $0xb8;
	[tilespmem:$0x1E080] =	vst v63  }
0x34: {  	s30 =	smov.u32 s29;
	s29 =	sadd.s32 $0x1000, s29;
	_ =	swait.ge [sflag:s20], $0x4000  }
0x35: {  	[sflag:s20] =	ssyncset.done $0x0  }
0x36: {  	s31 =	sadd.s32 s28, s12;
	[sflag:s20] =	ssyncadd.s32 $0xFFFFC000  }
0x37: {  	[hbm4b:s31+s3] =	stream.linear.scatter [tilespmem:s18], [sflag:$0x3], $0x4000, $0x38;
	[tilespmem:$0x1E080] =	vst v63  }
0x38: {  	_ =	swait.ge [sflag:s21], $0x4000  }
0x39: {  	[sflag:s21] =	ssyncset.done $0x0  }
0x3a: {  	s31 =	sadd.s32 s28, s11;
	s28 =	smov.u32 s30;
	[sflag:s21] =	ssyncadd.s32 $0xFFFFC000  }
0x3b: {  	[hbm4b:s31+s3] =	stream.linear.scatter [tilespmem:s19], [sflag:$0x4], $0x4000, $0x38;
	[tilespmem:$0x1E080] =	vst v63  }
0x3c: {  	_ =	swait.ge [sflag:s22], $0x4000  }
.Ltmp0:
0x3d: {  	[sflag:s22] =	ssyncset.done $0x0;
	(pc) =	sbr.rel @p1 .LBB2_2-.Ltmp0, $4  }
0x3e: {  	[sflag:s22] =	ssyncadd.s32 $0xFFFFC000  }
0x3f: {  	[tilespmem:s18], [sflag:$0x1] =	stream.indirect.gather [spmem:s2], $0x80, s26, s17, $0xb8;
	[tilespmem:$0x1E080] =	vst v63  }
0x40: {  	_ =	swait.ge [sflag:s23], $0x4000  }
0x41: {  	s26 =	sadd.s32 $0x100, s26;
	[sflag:s23] =	ssyncset.done $0x0  }
0x42: {  	s29 =	sadd.s32 $0xFFFFFF80, s26;
	[sflag:s23] =	ssyncadd.s32 $0xFFFFC000  }
0x43: {  	[tilespmem:s19], [sflag:$0x2] =	stream.indirect.gather [spmem:s2], $0x80, s29, s17, $0xb8;
	[tilespmem:$0x1E080] =	vst v63  }
0x44: {  	_ =	swait.ge [sflag:s20], $0x4000  }
0x45: {  	[sflag:s20] =	ssyncset.done $0x0  }
0x46: {  	s29 =	sadd.s32 s28, s12;
	[sflag:s20] =	ssyncadd.s32 $0xFFFFC000  }
0x47: {  	[hbm4b:s29+s3] =	stream.linear.scatter [tilespmem:s18], [sflag:$0x3], $0x4000, $0x38;
	[tilespmem:$0x1E080] =	vst v63  }
0x48: {  	_ =	swait.ge [sflag:s21], $0x4000  }
0x49: {  	[sflag:s21] =	ssyncset.done $0x0  }
0x4a: {  	s28 =	sadd.s32 s28, s11;
	[sflag:s21] =	ssyncadd.s32 $0xFFFFC000  }
0x4b: {  	[hbm4b:s28+s3] =	stream.linear.scatter [tilespmem:s19], [sflag:$0x4], $0x4000, $0x38;
	[tilespmem:$0x1E080] =	vst v63  }
0x4c: {  	_ =	swait.ge [sflag:s22], $0x4000  }
0x4d: {  	[sflag:s22] =	ssyncset.done $0x0  }
0x4e: {  	[sflag:s22] =	ssyncadd.s32 $0xFFFFC000  }
0x4f: {  	[tilespmem:s18], [sflag:$0x1] =	stream.indirect.gather [spmem:s2], $0x80, s26, s17, $0xb8;
	[tilespmem:$0x1E080] =	vst v63  }
0x50: {  	_ =	swait.ge [sflag:s23], $0x4000  }
0x51: {  	[sflag:s23] =	ssyncset.done $0x0  }
0x52: {  	[sflag:s23] =	ssyncadd.s32 $0xFFFFC000  }
0x53: {  	[tilespmem:s19], [sflag:$0x2] =	stream.indirect.gather [spmem:s2], $0x80, s24, s17, $0xb8;
	[tilespmem:$0x1E080] =	vst v63  }
0x54: {  	_ =	swait.ge [sflag:s20], $0x4000  }
0x55: {  	[sflag:s20] =	ssyncset.done $0x0  }
0x56: {  	s31 =	simm.s32 $0x0;
	[sflag:s20] =	ssyncadd.s32 $0xFFFFC000  }
0x57: {  	[hbm4b:s7+s31] =	stream.linear.scatter [tilespmem:s18], [sflag:$0x3], $0x4000, $0x38;
	[tilespmem:$0x1E080] =	vst v63  }
0x58: {  	_ =	swait.ge [sflag:s21], $0x4000  }
0x59: {  	[sflag:s21] =	ssyncset.done $0x0  }
0x5a: {  	[sflag:s21] =	ssyncadd.s32 $0xFFFFC000  }
0x5b: {  	[hbm4b:s8+s31] =	stream.linear.scatter [tilespmem:s19], [sflag:$0x4], $0x4000, $0x38;
	[tilespmem:$0x1E080] =	vst v63  }
0x5c: {  	_ =	swait.ge [sflag:s22], $0x4000  }
0x5d: {  	[sflag:s22] =	ssyncset.done $0x0  }
0x5e: {  	[sflag:s22] =	ssyncadd.s32 $0xFFFFC000  }
0x5f: {  	_ =	swait.ge [sflag:s23], $0x4000  }
0x60: {  	[sflag:s23] =	ssyncset.done $0x0  }
0x61: {  	[sflag:s23] =	ssyncadd.s32 $0xFFFFC000  }
0x62: {  	[tilespmem:s31], [sflag:$0x5] =	stream.linear.gather [hbm4b:s5+s31], $0x2800, $0x38;
	[tilespmem:$0x1E080] =	vst v63  }
0x63: {  	_ =	swait.ge [sflag:s16], $0x2800  }
0x64: {  	[sflag:s16] =	ssyncset.done $0x0  }
0x65: {  	[sflag:s16] =	ssyncadd.s32 $0xFFFFD800  }
0x66: {  	[tilespmem:s18], [sflag:$0x1] =	stream.indirect.gather [spmem:s2], $0x80, s31, s17, $0xb8;
	[tilespmem:$0x1E080] =	vst v63  }
0x67: {  	s30 =	simm.s32 $0x80  }
0x68: {  	[tilespmem:s19], [sflag:$0x2] =	stream.indirect.gather [spmem:s2], $0x80, s30, s17, $0xb8;
	[tilespmem:$0x1E080] =	vst v63  }
0x69: {  	_ =	swait.ge [sflag:s20], $0x4000  }
0x6a: {  	[sflag:s20] =	ssyncset.done $0x0  }
0x6b: {  	s31 =	sadd.s32 $0x0, s14;
	[sflag:s20] =	ssyncadd.s32 $0xFFFFC000  }
0x6c: {  	[hbm4b:s31+s3] =	stream.linear.scatter [tilespmem:s18], [sflag:$0x3], $0x4000, $0x38;
	[tilespmem:$0x1E080] =	vst v63  }
0x6d: {  	_ =	swait.ge [sflag:s21], $0x4000  }
0x6e: {  	[sflag:s21] =	ssyncset.done $0x0  }
0x6f: {  	s30 =	sadd.s32 $0x0, s13;
	[sflag:s21] =	ssyncadd.s32 $0xFFFFC000  }
0x70: {  	[hbm4b:s30+s3] =	stream.linear.scatter [tilespmem:s19], [sflag:$0x4], $0x4000, $0x38;
	[tilespmem:$0x1E080] =	vst v63  }
0x71: {  	_ =	swait.ge [sflag:s22], $0x4000  }
0x72: {  	[sflag:s22] =	ssyncset.done $0x0  }
0x73: {  	s31 =	simm.s32 $0x100;
	[sflag:s22] =	ssyncadd.s32 $0xFFFFC000  }
0x74: {  	[tilespmem:s18], [sflag:$0x1] =	stream.indirect.gather [spmem:s2], $0x80, s31, s17, $0xb8;
	[tilespmem:$0x1E080] =	vst v63  }
0x75: {  	s29 =	simm.s32 $0x2000;
	_ =	swait.ge [sflag:s23], $0x4000  }
0x76: {  	s28 =	simm.s32 $0x1000;
	s26 =	simm.s32 $0x200;
	[sflag:s23] =	ssyncset.done $0x0  }
.LBB2_4:
0x77: {  	p1 =	sne.s32 s29, $0x26000;
	s30 =	sadd.s32 $0xFFFFFF80, s26;
	[sflag:s23] =	ssyncadd.s32 $0xFFFFC000  }
0x78: {  	[tilespmem:s19], [sflag:$0x2] =	stream.indirect.gather [spmem:s2], $0x80, s30, s17, $0xb8;
	[tilespmem:$0x1E080] =	vst v63  }
0x79: {  	s30 =	smov.u32 s29;
	s29 =	sadd.s32 $0x1000, s29;
	_ =	swait.ge [sflag:s20], $0x4000  }
0x7a: {  	[sflag:s20] =	ssyncset.done $0x0  }
0x7b: {  	s31 =	sadd.s32 s28, s14;
	[sflag:s20] =	ssyncadd.s32 $0xFFFFC000  }
0x7c: {  	[hbm4b:s31+s3] =	stream.linear.scatter [tilespmem:s18], [sflag:$0x3], $0x4000, $0x38;
	[tilespmem:$0x1E080] =	vst v63  }
0x7d: {  	_ =	swait.ge [sflag:s21], $0x4000  }
0x7e: {  	[sflag:s21] =	ssyncset.done $0x0  }
0x7f: {  	s31 =	sadd.s32 s28, s13;
	s28 =	smov.u32 s30;
	[sflag:s21] =	ssyncadd.s32 $0xFFFFC000  }
0x80: {  	[hbm4b:s31+s3] =	stream.linear.scatter [tilespmem:s19], [sflag:$0x4], $0x4000, $0x38;
	[tilespmem:$0x1E080] =	vst v63  }
0x81: {  	_ =	swait.ge [sflag:s22], $0x4000  }
.Ltmp1:
0x82: {  	[sflag:s22] =	ssyncset.done $0x0;
	(pc) =	sbr.rel @p1 .LBB2_4-.Ltmp1, $4  }
0x83: {  	[sflag:s22] =	ssyncadd.s32 $0xFFFFC000  }
0x84: {  	[tilespmem:s18], [sflag:$0x1] =	stream.indirect.gather [spmem:s2], $0x80, s26, s17, $0xb8;
	[tilespmem:$0x1E080] =	vst v63  }
0x85: {  	_ =	swait.ge [sflag:s23], $0x4000  }
0x86: {  	s26 =	sadd.s32 $0x100, s26;
	[sflag:s23] =	ssyncset.done $0x0  }
0x87: {  	s29 =	sadd.s32 $0xFFFFFF80, s26;
	[sflag:s23] =	ssyncadd.s32 $0xFFFFC000  }
0x88: {  	[tilespmem:s19], [sflag:$0x2] =	stream.indirect.gather [spmem:s2], $0x80, s29, s17, $0xb8;
	[tilespmem:$0x1E080] =	vst v63  }
0x89: {  	_ =	swait.ge [sflag:s20], $0x4000  }
0x8a: {  	[sflag:s20] =	ssyncset.done $0x0  }
0x8b: {  	s30 =	sadd.s32 s28, s14;
	[sflag:s20] =	ssyncadd.s32 $0xFFFFC000  }
0x8c: {  	[hbm4b:s30+s3] =	stream.linear.scatter [tilespmem:s18], [sflag:$0x3], $0x4000, $0x38;
	[tilespmem:$0x1E080] =	vst v63  }
0x8d: {  	_ =	swait.ge [sflag:s21], $0x4000  }
0x8e: {  	[sflag:s21] =	ssyncset.done $0x0  }
0x8f: {  	s31 =	sadd.s32 s28, s13;
	[sflag:s21] =	ssyncadd.s32 $0xFFFFC000  }
0x90: {  	[hbm4b:s31+s3] =	stream.linear.scatter [tilespmem:s19], [sflag:$0x4], $0x4000, $0x38;
	[tilespmem:$0x1E080] =	vst v63  }
0x91: {  	_ =	swait.ge [sflag:s22], $0x4000  }
0x92: {  	[sflag:s22] =	ssyncset.done $0x0  }
0x93: {  	[sflag:s22] =	ssyncadd.s32 $0xFFFFC000  }
0x94: {  	[tilespmem:s18], [sflag:$0x1] =	stream.indirect.gather [spmem:s2], $0x80, s26, s17, $0xb8;
	[tilespmem:$0x1E080] =	vst v63  }
0x95: {  	_ =	swait.ge [sflag:s23], $0x4000  }
0x96: {  	[sflag:s23] =	ssyncset.done $0x0  }
0x97: {  	[sflag:s23] =	ssyncadd.s32 $0xFFFFC000  }
0x98: {  	[tilespmem:s19], [sflag:$0x2] =	stream.indirect.gather [spmem:s2], $0x80, s24, s17, $0xb8;
	[tilespmem:$0x1E080] =	vst v63  }
0x99: {  	_ =	swait.ge [sflag:s20], $0x4000  }
0x9a: {  	[sflag:s20] =	ssyncset.done $0x0  }
0x9b: {  	[sflag:s20] =	ssyncadd.s32 $0xFFFFC000  }
0x9c: {  	[hbm4b:s9+s3] =	stream.linear.scatter [tilespmem:s18], [sflag:$0x3], $0x4000, $0x38;
	[tilespmem:$0x1E080] =	vst v63  }
0x9d: {  	_ =	swait.ge [sflag:s21], $0x4000  }
0x9e: {  	[sflag:s21] =	ssyncset.done $0x0  }
0x9f: {  	s25 =	sadd.s32 $0x1, s25;
	[sflag:s21] =	ssyncadd.s32 $0xFFFFC000  }
0xa0: {  	[hbm4b:s10+s3] =	stream.linear.scatter [tilespmem:s19], [sflag:$0x4], $0x4000, $0x38;
	[tilespmem:$0x1E080] =	vst v63  }
0xa1: {  	p1 =	sne.s32 s25, s6;
	_ =	swait.ge [sflag:s22], $0x4000  }
.Ltmp2:
0xa2: {  	[sflag:s22] =	ssyncset.done $0x0;
	(pc) =	sbr.rel @p1 .LBB2_1-.Ltmp2, $4  }
0xa3: {  	[sflag:s22] =	ssyncadd.s32 $0xFFFFC000  }
0xa4: {  	_ =	swait.ge [sflag:s23], $0x4000  }
0xa5: {  	[sflag:s23] =	ssyncset.done $0x0  }
0xa6: {  	[sflag:s23] =	ssyncadd.s32 $0xFFFFC000  }
0xa7: {  	_ =	sfence.sel $0x180000  }
0xa8: {  	[bflag:$0x0] =	sbarrier.arrive $0xFFFF  }
0xa9: {  	_ =	strace $0x90000047  }
0xaa: {  	s0 =	sadd.s32 @!p0 $0x100000, s1;
	[bflag:$0x2] =	sbarrier.arrive $0xFFFF  }
0xab: {  	[sflag:s0] =	ssyncadd.tile.s32 @!p0 $0x1;
	_ =	shalt  }
.Lfunc_end2:
_tile_overlayer_lowered:
.L_overlay_start_2:
0xac: {  	(tag) =	ssettag $0x2  }
0xad: {  	s0 =	rddreg [dreg:$0x0];
	s2 =	stileid.u32  }
0xae: {  	s1 =	rddreg [dreg:$0x1];
	p0 =	sne.s32 s2, $0x0  }
0xaf: {  	s3 =	rddreg [dreg:$0x2];
	[bflag:$0x3] =	sbarrier.arrive $0xFFFF;
	s2 =	simm.s32 @!p0 $0x1C05  }
0xb0: {  	[timem:s3], [sflag:s2] =	dma.local @!p0 [hbm:s0], s1  }
0xb1: {  	s0 =	simm.s32 @!p0 $0x5  }
0xb2: {  	_ =	swait.ge @!p0 [sflag:s0], s1  }
0xb3: {  	s1 =	ssub.s32 @!p0 $0x0, s1;
	[sflag:s0] =	ssyncset.done @!p0 $0x0  }
0xb4: {  	[sflag:s0] =	ssyncadd.s32 @!p0 s1  }
0xb5: {  	[bflag:$0x3] =	sbarrier.arrive $0xFFFF  }
0xb6: {  	_ =	shalt  }

</sc_bundles>
